<compile_context>
chip_gen: v7x
topology: tpu7x:2x2x1
jax: 0.10.2.dev20260603
libtpu: 0.0.44.dev20260713+nightly
codegen_flags: <defaults>
</compile_context>

<pallas_src>
import functools

import jax
import jax.numpy as jnp
import numpy as np
from jax import lax
from jax.experimental import pallas as pl
from jax.experimental.pallas import tpu as pltpu
from jax.experimental.pallas import tpu_sc as plsc

NATOMS = 10000
NEDGES = 320000
EMB = 128
NRBF = 16
NHID = 2
INV_SQRT_2 = 1.0 / np.sqrt(2.0)

EDGE_BLK = 12800
NTILE = 16
GROWS = 2
GEDGES = GROWS * 128
NFULL = NEDGES // GEDGES
G_PER = NFULL // NTILE
HGRP = G_PER // 2
CATOMS = NATOMS // 2
NDUMP = 8
ACC_ROWS = CATOMS + NDUMP
AINIT = 312


def _swish(x):
    return x * jax.nn.sigmoid(x)


def _bdot(a, b):
    return jnp.dot(a.astype(jnp.bfloat16), b.astype(jnp.bfloat16),
                   preferred_element_type=jnp.float32)


def _swish16(x):
    xb = x.astype(jnp.bfloat16)
    return xb * jax.nn.sigmoid(xb)


def _payload_body(m_ref, rbft_ref, wrbf_ref, x_ref):
    rbfm = lax.dot_general(
        rbft_ref[...].astype(jnp.bfloat16), wrbf_ref[...].astype(jnp.bfloat16),
        (((0,), (0,)), ((), ())), preferred_element_type=jnp.float32)
    x_ref[...] = m_ref[...] * rbfm


def _payload_call(m, rbft, W_rbf):
    nblk = NEDGES // EDGE_BLK
    full = lambda shape: pl.BlockSpec(shape, lambda i: (0,) * len(shape))
    return pl.pallas_call(
        _payload_body,
        grid=(nblk,),
        in_specs=[
            pl.BlockSpec((EDGE_BLK, EMB), lambda i: (i, 0)),
            pl.BlockSpec((NRBF, EDGE_BLK), lambda i: (0, i)),
            full((NRBF, EMB)),
        ],
        out_specs=pl.BlockSpec((EDGE_BLK, EMB), lambda i: (i, 0)),
        out_shape=jax.ShapeDtypeStruct((NEDGES, EMB), jnp.float32),
    )(m, rbft, W_rbf)


def _force_body(m_ref, rbft_ref, wrbfF_ref, wf0_ref, wfres_ref,
                woutf_ref, xf_ref):
    m = m_ref[...]
    rbfmF = lax.dot_general(
        rbft_ref[...].astype(jnp.bfloat16),
        wrbfF_ref[...].astype(jnp.bfloat16),
        (((0,), (0,)), ((), ())), preferred_element_type=jnp.float32)
    f = _swish16(_bdot(m, wf0_ref[...]))
    for i in range(NHID):
        y = f
        for j in range(2):
            y = _swish16(_bdot(y, wfres_ref[i, j]))
        f = (f + y) * jnp.bfloat16(INV_SQRT_2)
    xf = f.astype(jnp.float32) * rbfmF
    xf_row = lax.dot_general(woutf_ref[...], xf, (((1,), (1,)), ((), ())),
                             preferred_element_type=jnp.float32)
    xf_ref[...] = xf_row.reshape(1, 1, EDGE_BLK)


def _force_call(m, rbft, W_rbf_F, W_f0, W_f_res, W_out_f_row):
    nblk = NEDGES // EDGE_BLK
    full = lambda shape: pl.BlockSpec(shape, lambda i: (0,) * len(shape))
    return pl.pallas_call(
        _force_body,
        grid=(nblk,),
        in_specs=[
            pl.BlockSpec((EDGE_BLK, EMB), lambda i: (i, 0)),
            pl.BlockSpec((NRBF, EDGE_BLK), lambda i: (0, i)),
            full((NRBF, EMB)),
            full((EMB, EMB)),
            full((NHID, 2, EMB, EMB)),
            full((1, EMB)),
        ],
        out_specs=pl.BlockSpec((1, 1, EDGE_BLK), lambda i: (i, 0, 0)),
        out_shape=jax.ShapeDtypeStruct((nblk, 1, EDGE_BLK), jnp.float32),
    )(m, rbft, W_rbf_F, W_f0, W_f_res, W_out_f_row)


def _atom_body(parts_ref, we0_ref, weres_ref, woute_ref, out_ref):
    x = jnp.concatenate([parts_ref[0], parts_ref[1]], axis=0)
    x = _swish(_bdot(x, we0_ref[...]))
    for i in range(NHID):
        y = x
        for j in range(2):
            y = _swish(_bdot(y, weres_ref[i, j]))
        x = (x + y) * INV_SQRT_2
    out_ref[...] = jnp.dot(x, woute_ref[...],
                           preferred_element_type=jnp.float32)


def _atom_call(parts, W_e0_s, W_e_res, W_out_e):
    return pl.pallas_call(
        _atom_body,
        out_shape=jax.ShapeDtypeStruct((NATOMS, 1), jnp.float32),
    )(parts, W_e0_s, W_e_res, W_out_e)


def _sc_scatter_body(x_hbm, idx_hbm, zeros_hbm, out_hbm,
                     idx_v0, idx_v1, x_v0, x_v1, acc, sem0, sem1):
    c = lax.axis_index("c")
    s = lax.axis_index("s")

    ab = s * AINIT
    pltpu.sync_copy(zeros_hbm.at[pl.ds(ab, AINIT)],
                    acc.at[pl.ds(ab, AINIT)])

    @pl.when(s == 0)
    def _():
        pltpu.sync_copy(zeros_hbm.at[pl.ds(16 * AINIT, ACC_ROWS - 16 * AINIT)],
                        acc.at[pl.ds(16 * AINIT, ACC_ROWS - 16 * AINIT)])

    plsc.subcore_barrier()

    base = c * CATOMS
    dump = CATOMS + jnp.bitwise_and(lax.iota(jnp.int32, 16), NDUMP - 1)

    def start(idx_v, x_v, sem, g):
        pltpu.async_copy(idx_hbm.at[g], idx_v, sem)
        pltpu.async_copy(x_hbm.at[pl.ds(g * GEDGES, GEDGES)], x_v, sem)

    def drain(idx_v, x_v, sem):
        pltpu.make_async_copy(idx_hbm.at[0], idx_v, sem).wait()
        pltpu.make_async_copy(x_hbm.at[pl.ds(0, GEDGES)], x_v, sem).wait()

    def xform_scatter(idx_v, x_v, nrows):
        for k in range(nrows):
            for q in range(128 // 16):
                t = idx_v[k, pl.ds(q * 16, 16)] - base
                ok = (t >= 0) & (t < CATOMS)
                idx_v[k, pl.ds(q * 16, 16)] = jnp.where(ok, t, dump)
        for k in range(nrows):
            pltpu.sync_copy(x_v.at[pl.ds(k * 128, 128)],
                            acc.at[idx_v.at[k]], add=True)

    g0 = s * G_PER
    start(idx_v0, x_v0, sem0, g0)

    def body(j, carry):
        g = g0 + 2 * j
        drain(idx_v0, x_v0, sem0)
        start(idx_v1, x_v1, sem1, g + 1)
        xform_scatter(idx_v0, x_v0, GROWS)
        drain(idx_v1, x_v1, sem1)
        start(idx_v0, x_v0, sem0, g + 2)
        xform_scatter(idx_v1, x_v1, GROWS)
        return carry

    lax.fori_loop(0, HGRP, body, 0)
    drain(idx_v0, x_v0, sem0)

    @pl.when(s < NFULL - NTILE * G_PER)
    def _():
        g = NTILE * G_PER + s
        pltpu.sync_copy(idx_hbm.at[g], idx_v0)
        pltpu.sync_copy(x_hbm.at[pl.ds(g * GEDGES, GEDGES)], x_v0)
        xform_scatter(idx_v0, x_v0, GROWS)

    plsc.subcore_barrier()
    pltpu.sync_copy(acc.at[pl.ds(ab, AINIT)],
                    out_hbm.at[c, pl.ds(ab, AINIT)])

    @pl.when(s == 0)
    def _():
        pltpu.sync_copy(acc.at[pl.ds(16 * AINIT, CATOMS - 16 * AINIT)],
                        out_hbm.at[c, pl.ds(16 * AINIT, CATOMS - 16 * AINIT)])


def _sc_scatter(x, idx3):
    mesh = plsc.VectorSubcoreMesh(core_axis_name="c", subcore_axis_name="s")
    zeros = jnp.zeros((ACC_ROWS, EMB), jnp.float32)
    fn = functools.partial(
        pl.kernel,
        mesh=mesh,
        out_type=jax.ShapeDtypeStruct((2, CATOMS, EMB), jnp.float32),
        scratch_types=[
            pltpu.VMEM((GROWS, 128), jnp.int32),
            pltpu.VMEM((GROWS, 128), jnp.int32),
            pltpu.VMEM((GEDGES, EMB), jnp.float32),
            pltpu.VMEM((GEDGES, EMB), jnp.float32),
            pltpu.VMEM_SHARED((ACC_ROWS, EMB), jnp.float32),
            pltpu.SemaphoreType.DMA,
            pltpu.SemaphoreType.DMA,
        ],
    )(_sc_scatter_body)
    return fn(x, idx3, zeros)


def kernel(h, m, rbf, id_j, W_rbf, scale_sum, W_e0, W_e_res, W_out_e,
           W_f0, W_f_res, W_rbf_F, scale_rbf, W_out_f):
    del h
    rbft = rbf.T
    x = _payload_call(m, rbft, W_rbf)
    x_F3 = _force_call(m, rbft, W_rbf_F, W_f0, W_f_res,
                       (W_out_f * scale_rbf).reshape(1, EMB))
    x_F = x_F3.reshape(NEDGES, 1)
    idx3 = id_j.reshape(NFULL, GROWS, 128)
    parts = _sc_scatter(x, idx3)
    x_E = _atom_call(parts, W_e0 * scale_sum, W_e_res, W_out_e)
    return (x_E, x_F)

# --- scband reference (transcript-rebuilt; emitter-appended) ---
"""Pipeline reference for scband-output-block-76639396430007 (READ-ONLY COPY).

The authoritative reference and input builder live on the scoring server;
editing this copy changes nothing except your own understanding.
"""

import jax, jax.numpy as jnp
import numpy as np

NATOMS = 10000
NEDGES = 320000
EMB = 128
NRBF = 16
NHID = 2
NTARGETS = 1
INV_SQRT_2 = 1.0 / np.sqrt(2.0)


def swish(x):
    return x * jax.nn.sigmoid(x)


def _mlp(x, W0, Wres):
    # dense1 (no bias) + activation, then NHID residual blocks of 2 dense layers
    x = swish(jnp.dot(x, W0))
    for i in range(Wres.shape[0]):
        y = x
        for j in range(Wres.shape[1]):
            y = swish(jnp.dot(y, Wres[i, j]))
        x = (x + y) * INV_SQRT_2
    return x


def setup_inputs(seed: int = 0) -> dict:
    key = jax.random.key(seed)
    ks = jax.random.split(key, 16)
    h = jax.random.normal(ks[0], (NATOMS, EMB), dtype=jnp.float32)
    m = jax.random.normal(ks[1], (NEDGES, EMB), dtype=jnp.float32)
    rbf = jax.random.uniform(ks[2], (NEDGES, NRBF), dtype=jnp.float32)
    id_j = jax.random.randint(ks[3], (NEDGES,), 0, NATOMS, dtype=jnp.int32)
    se = 1.0 / np.sqrt(EMB)
    sr = 1.0 / np.sqrt(NRBF)
    W_rbf = jax.random.normal(ks[4], (NRBF, EMB), dtype=jnp.float32) * sr
    scale_sum = jnp.ones((), dtype=jnp.float32)
    W_e0 = jax.random.normal(ks[5], (EMB, EMB), dtype=jnp.float32) * se
    W_e_res = jax.random.normal(ks[6], (NHID, 2, EMB, EMB), dtype=jnp.float32) * se
    W_out_e = jax.random.normal(ks[7], (EMB, NTARGETS), dtype=jnp.float32) * se
    W_f0 = jax.random.normal(ks[8], (EMB, EMB), dtype=jnp.float32) * se
    W_f_res = jax.random.normal(ks[9], (NHID, 2, EMB, EMB), dtype=jnp.float32) * se
    W_rbf_F = jax.random.normal(ks[10], (NRBF, EMB), dtype=jnp.float32) * sr
    scale_rbf = jnp.ones((), dtype=jnp.float32)
    W_out_f = jax.random.normal(ks[11], (EMB, NTARGETS), dtype=jnp.float32) * se
    return {
        "h": h, "m": m, "rbf": rbf, "id_j": id_j,
        "W_rbf": W_rbf, "scale_sum": scale_sum,
        "W_e0": W_e0, "W_e_res": W_e_res, "W_out_e": W_out_e,
        "W_f0": W_f0, "W_f_res": W_f_res, "W_rbf_F": W_rbf_F,
        "scale_rbf": scale_rbf, "W_out_f": W_out_f,
    }


def reference(h, m, rbf, id_j, W_rbf, scale_sum, W_e0, W_e_res, W_out_e,
              W_f0, W_f_res, W_rbf_F, scale_rbf, W_out_f):
    nAtoms = h.shape[0]
    # Energy branch
    rbf_mlp = jnp.dot(rbf, W_rbf)                      # [E, EMB]
    x = m * rbf_mlp                                    # [E, EMB]
    x_E = jax.ops.segment_sum(x, id_j, num_segments=nAtoms)  # [N, EMB]
    x_E = x_E * scale_sum                              # ScalingFactor
    x_E = _mlp(x_E, W_e0, W_e_res)                     # [N, EMB]
    x_E = jnp.dot(x_E, W_out_e)                        # [N, num_targets]
    # Force branch (direct_forces=True)
    x_F = _mlp(m, W_f0, W_f_res)                       # [E, EMB]
    rbf_mlp_F = jnp.dot(rbf, W_rbf_F)                  # [E, EMB]
    x_F = x_F * rbf_mlp_F
    x_F = x_F * scale_rbf                              # ScalingFactor
    x_F = jnp.dot(x_F, W_out_f)                        # [E, num_targets]
    return (x_E, x_F)

if __name__ == "__main__":
    import jax
    _d = setup_inputs()
    print(jax.jit(kernel)(*tuple(_d.values())))

</pallas_src>

<mosaic_0001>
#map = affine_map<(d0, d1) -> (0, 0)>
#map1 = affine_map<(d0, d1) -> (0, 0, 0)>
module attributes {stable_mosaic.version = 14 : i64} {
  func.func @_sc_scatter_body(%arg0: i32, %arg1: i32, %arg2: memref<320000x128xf32, #tpu.memory_space<hbm>>, %arg3: memref<1250x2x128xi32, #tpu.memory_space<hbm>>, %arg4: memref<5008x128xf32, #tpu.memory_space<hbm>>, %arg5: memref<2x5000x128xf32, #tpu.memory_space<hbm>>, %arg6: memref<2x128xi32, #tpu.memory_space<vmem>>, %arg7: memref<2x128xi32, #tpu.memory_space<vmem>>, %arg8: memref<256x128xf32, #tpu.memory_space<vmem>>, %arg9: memref<256x128xf32, #tpu.memory_space<vmem>>, %arg10: memref<5008x128xf32, #tpu.memory_space<vmem_shared>>, %arg11: memref<!tpu.dma_semaphore, #tpu.memory_space<semaphore_mem>>, %arg12: memref<!tpu.dma_semaphore, #tpu.memory_space<semaphore_mem>>) attributes {dimension_semantics = [#tpu.dimension_semantics<core_parallel>, #tpu.dimension_semantics<subcore_parallel>], iteration_bounds = array<i64: 2, 16>, scalar_prefetch = 0 : i64, scratch_operands = 7 : i64, tpu.core_type = #tpu.core_type<sc_vector_subcore>, window_params = [{transform_indices = #map}, {transform_indices = #map1}, {transform_indices = #map}, {transform_indices = #map1}]} {
    %mul3A = arith.constant 312 : i32
    %mul3A_0 = arith.muli %arg1, %mul3A : i32
    "tpu.region"() ({
      %run_scoped3A = tpu.sem_alloc : memref<!tpu.dma_semaphore, #tpu.memory_space<semaphore_mem>>
      %dma_start3A_53 = arith.constant 0 : i32
      %dma_start3A_54 = tpu.memref_slice %arg10[%mul3A_0, %dma_start3A_53] : memref<5008x128xf32, #tpu.memory_space<vmem_shared>> -> memref<312x128xf32, #tpu.memory_space<vmem_shared>>
      %dma_start3A_55 = arith.constant 0 : i32
      %dma_start3A_56 = tpu.memref_slice %arg4[%mul3A_0, %dma_start3A_55] : memref<5008x128xf32, #tpu.memory_space<hbm>> -> memref<312x128xf32, #tpu.memory_space<hbm>>
      tpu.enqueue_dma source(%dma_start3A_56 : memref<312x128xf32, #tpu.memory_space<hbm>>) target(%dma_start3A_54 : memref<312x128xf32, #tpu.memory_space<vmem_shared>>) target_semaphore(%run_scoped3A : memref<!tpu.dma_semaphore, #tpu.memory_space<semaphore_mem>>)
      %dma_wait3A_57 = arith.constant 0 : i32
      %dma_wait3A_58 = tpu.memref_slice %arg10[%mul3A_0, %dma_wait3A_57] : memref<5008x128xf32, #tpu.memory_space<vmem_shared>> -> memref<312x128xf32, #tpu.memory_space<vmem_shared>>
      %dma_wait3A_59 = arith.constant 0 : i32
      %dma_wait3A_60 = tpu.memref_slice %arg4[%mul3A_0, %dma_wait3A_59] : memref<5008x128xf32, #tpu.memory_space<hbm>> -> memref<312x128xf32, #tpu.memory_space<hbm>>
      tpu.wait_dma2 semaphore(%run_scoped3A : memref<!tpu.dma_semaphore, #tpu.memory_space<semaphore_mem>>) src(%dma_wait3A_60 : memref<312x128xf32, #tpu.memory_space<hbm>>) dst(%dma_wait3A_58 : memref<312x128xf32, #tpu.memory_space<vmem_shared>>)
      tpu.yield
    }) : () -> ()
    %eq3A = arith.constant 0 : i32
    %eq3A_1 = arith.cmpi eq, %arg1, %eq3A : i32
    %convert_element_type3A = arith.extui %eq3A_1 : i1 to i32
    %cond3A = arith.constant 0 : i32
    %cond3A_2 = arith.cmpi ne, %convert_element_type3A, %cond3A : i32
    scf.if %cond3A_2 {
      "tpu.region"() ({
        %run_scoped3A = tpu.sem_alloc : memref<!tpu.dma_semaphore, #tpu.memory_space<semaphore_mem>>
        %dma_start3A_53 = arith.constant 4992 : i32
        %dma_start3A_54 = arith.constant 0 : i32
        %dma_start3A_55 = tpu.memref_slice %arg10[%dma_start3A_53, %dma_start3A_54] : memref<5008x128xf32, #tpu.memory_space<vmem_shared>> -> memref<16x128xf32, #tpu.memory_space<vmem_shared>>
        %dma_start3A_56 = arith.constant 4992 : i32
        %dma_start3A_57 = arith.constant 0 : i32
        %dma_start3A_58 = tpu.memref_slice %arg4[%dma_start3A_56, %dma_start3A_57] : memref<5008x128xf32, #tpu.memory_space<hbm>> -> memref<16x128xf32, #tpu.memory_space<hbm>>
        tpu.enqueue_dma source(%dma_start3A_58 : memref<16x128xf32, #tpu.memory_space<hbm>>) target(%dma_start3A_55 : memref<16x128xf32, #tpu.memory_space<vmem_shared>>) target_semaphore(%run_scoped3A : memref<!tpu.dma_semaphore, #tpu.memory_space<semaphore_mem>>)
        %dma_wait3A_59 = arith.constant 4992 : i32
        %dma_wait3A_60 = arith.constant 0 : i32
        %dma_wait3A_61 = tpu.memref_slice %arg10[%dma_wait3A_59, %dma_wait3A_60] : memref<5008x128xf32, #tpu.memory_space<vmem_shared>> -> memref<16x128xf32, #tpu.memory_space<vmem_shared>>
        %dma_wait3A_62 = arith.constant 4992 : i32
        %dma_wait3A_63 = arith.constant 0 : i32
        %dma_wait3A_64 = tpu.memref_slice %arg4[%dma_wait3A_62, %dma_wait3A_63] : memref<5008x128xf32, #tpu.memory_space<hbm>> -> memref<16x128xf32, #tpu.memory_space<hbm>>
        tpu.wait_dma2 semaphore(%run_scoped3A : memref<!tpu.dma_semaphore, #tpu.memory_space<semaphore_mem>>) src(%dma_wait3A_64 : memref<16x128xf32, #tpu.memory_space<hbm>>) dst(%dma_wait3A_61 : memref<16x128xf32, #tpu.memory_space<vmem_shared>>)
        tpu.yield
      }) : () -> ()
    } else {
    }
    %barrier3A = arith.constant 0 : index
    tpu.barrier barrier_id(%barrier3A)
    %mul3A_3 = arith.constant 5000 : i32
    %mul3A_4 = arith.muli %arg0, %mul3A_3 : i32
    %iota3A = tpu.iota {dimensions = array<i32: 0>} : vector<16xi32>
    %and3A = arith.constant 7 : i32
    %and3A_5 = vector.broadcast %and3A : i32 to vector<16xi32>
    %and3A_6 = arith.andi %iota3A, %and3A_5 : vector<16xi32>
    %add3A = arith.constant 5000 : i32
    %add3A_7 = vector.broadcast %add3A : i32 to vector<16xi32>
    %add3A_8 = arith.addi %add3A_7, %and3A_6 : vector<16xi32>
    %mul3A_9 = arith.constant 78 : i32
    %mul3A_10 = arith.muli %arg1, %mul3A_9 : i32
    %dma_start3A = arith.constant 0 : i32
    %dma_start3A_11 = arith.constant 0 : i32
    %dma_start3A_12 = tpu.memref_slice %arg3[%mul3A_10, %dma_start3A, %dma_start3A_11] : memref<1250x2x128xi32, #tpu.memory_space<hbm>> -> memref<1x2x128xi32, #tpu.memory_space<hbm>>
    %dma_start3A_13 = tpu.memref_squeeze %dma_start3A_12 : memref<1x2x128xi32, #tpu.memory_space<hbm>> -> memref<2x128xi32, #tpu.memory_space<hbm>>
    %dma_start3A_14 = arith.constant 0 : i32
    %dma_start3A_15 = arith.constant 0 : i32
    %dma_start3A_16 = tpu.memref_slice %arg3[%mul3A_10, %dma_start3A_14, %dma_start3A_15] : memref<1250x2x128xi32, #tpu.memory_space<hbm>> -> memref<1x2x128xi32, #tpu.memory_space<hbm>>
    %dma_start3A_17 = tpu.memref_squeeze %dma_start3A_16 : memref<1x2x128xi32, #tpu.memory_space<hbm>> -> memref<2x128xi32, #tpu.memory_space<hbm>>
    tpu.enqueue_dma source(%dma_start3A_17 : memref<2x128xi32, #tpu.memory_space<hbm>>) target(%arg6 : memref<2x128xi32, #tpu.memory_space<vmem>>) target_semaphore(%arg11 : memref<!tpu.dma_semaphore, #tpu.memory_space<semaphore_mem>>)
    %mul3A_18 = arith.constant 256 : i32
    %mul3A_19 = arith.muli %mul3A_10, %mul3A_18 : i32
    %dma_start3A_20 = arith.constant 0 : i32
    %dma_start3A_21 = tpu.memref_slice %arg2[%mul3A_19, %dma_start3A_20] : memref<320000x128xf32, #tpu.memory_space<hbm>> -> memref<256x128xf32, #tpu.memory_space<hbm>>
    %dma_start3A_22 = arith.constant 0 : i32
    %dma_start3A_23 = tpu.memref_slice %arg2[%mul3A_19, %dma_start3A_22] : memref<320000x128xf32, #tpu.memory_space<hbm>> -> memref<256x128xf32, #tpu.memory_space<hbm>>
    tpu.enqueue_dma source(%dma_start3A_23 : memref<256x128xf32, #tpu.memory_space<hbm>>) target(%arg8 : memref<256x128xf32, #tpu.memory_space<vmem>>) target_semaphore(%arg11 : memref<!tpu.dma_semaphore, #tpu.memory_space<semaphore_mem>>)
    %scan3A = arith.constant 0 : i32
    %scan3A_24 = arith.constant 0 : i32
    %scan3A_25 = arith.constant 39 : i32
    %scan3A_26 = arith.addi %scan3A_24, %scan3A_25 : i32
    %scan3A_27 = arith.constant 1 : i32
    scf.for %scan3A_53 = %scan3A_24 to %scan3A_26 step %scan3A_27  : i32 {
      %mul3A_54 = arith.constant 2 : i32
      %mul3A_55 = arith.muli %mul3A_54, %scan3A_53 : i32
      %add3A_56 = arith.addi %mul3A_10, %mul3A_55 : i32
      %dma_wait3A_57 = arith.constant 0 : i32
      %dma_wait3A_58 = arith.constant 0 : i32
      %dma_wait3A_59 = arith.constant 0 : i32
      %dma_wait3A_60 = tpu.memref_slice %arg3[%dma_wait3A_57, %dma_wait3A_58, %dma_wait3A_59] : memref<1250x2x128xi32, #tpu.memory_space<hbm>> -> memref<1x2x128xi32, #tpu.memory_space<hbm>>
      %dma_wait3A_61 = tpu.memref_squeeze %dma_wait3A_60 : memref<1x2x128xi32, #tpu.memory_space<hbm>> -> memref<2x128xi32, #tpu.memory_space<hbm>>
      %dma_wait3A_62 = arith.constant 0 : i32
      %dma_wait3A_63 = arith.constant 0 : i32
      %dma_wait3A_64 = tpu.memref_slice %arg3[%dma_wait3A_57, %dma_wait3A_62, %dma_wait3A_63] : memref<1250x2x128xi32, #tpu.memory_space<hbm>> -> memref<1x2x128xi32, #tpu.memory_space<hbm>>
      %dma_wait3A_65 = tpu.memref_squeeze %dma_wait3A_64 : memref<1x2x128xi32, #tpu.memory_space<hbm>> -> memref<2x128xi32, #tpu.memory_space<hbm>>
      tpu.wait_dma2 semaphore(%arg11 : memref<!tpu.dma_semaphore, #tpu.memory_space<semaphore_mem>>) src(%dma_wait3A_65 : memref<2x128xi32, #tpu.memory_space<hbm>>) dst(%arg6 : memref<2x128xi32, #tpu.memory_space<vmem>>)
      %dma_wait3A_66 = arith.constant 0 : i32
      %dma_wait3A_67 = arith.constant 0 : i32
      %dma_wait3A_68 = tpu.memref_slice %arg2[%dma_wait3A_66, %dma_wait3A_67] : memref<320000x128xf32, #tpu.memory_space<hbm>> -> memref<256x128xf32, #tpu.memory_space<hbm>>
      %dma_wait3A_69 = arith.constant 0 : i32
      %dma_wait3A_70 = arith.constant 0 : i32
      %dma_wait3A_71 = tpu.memref_slice %arg2[%dma_wait3A_69, %dma_wait3A_70] : memref<320000x128xf32, #tpu.memory_space<hbm>> -> memref<256x128xf32, #tpu.memory_space<hbm>>
      tpu.wait_dma2 semaphore(%arg11 : memref<!tpu.dma_semaphore, #tpu.memory_space<semaphore_mem>>) src(%dma_wait3A_71 : memref<256x128xf32, #tpu.memory_space<hbm>>) dst(%arg8 : memref<256x128xf32, #tpu.memory_space<vmem>>)
      %add3A_72 = arith.constant 1 : i32
      %add3A_73 = arith.addi %add3A_56, %add3A_72 : i32
      %dma_start3A_74 = arith.constant 0 : i32
      %dma_start3A_75 = arith.constant 0 : i32
      %dma_start3A_76 = tpu.memref_slice %arg3[%add3A_73, %dma_start3A_74, %dma_start3A_75] : memref<1250x2x128xi32, #tpu.memory_space<hbm>> -> memref<1x2x128xi32, #tpu.memory_space<hbm>>
      %dma_start3A_77 = tpu.memref_squeeze %dma_start3A_76 : memref<1x2x128xi32, #tpu.memory_space<hbm>> -> memref<2x128xi32, #tpu.memory_space<hbm>>
      %dma_start3A_78 = arith.constant 0 : i32
      %dma_start3A_79 = arith.constant 0 : i32
      %dma_start3A_80 = tpu.memref_slice %arg3[%add3A_73, %dma_start3A_78, %dma_start3A_79] : memref<1250x2x128xi32, #tpu.memory_space<hbm>> -> memref<1x2x128xi32, #tpu.memory_space<hbm>>
      %dma_start3A_81 = tpu.memref_squeeze %dma_start3A_80 : memref<1x2x128xi32, #tpu.memory_space<hbm>> -> memref<2x128xi32, #tpu.memory_space<hbm>>
      tpu.enqueue_dma source(%dma_start3A_81 : memref<2x128xi32, #tpu.memory_space<hbm>>) target(%arg7 : memref<2x128xi32, #tpu.memory_space<vmem>>) target_semaphore(%arg12 : memref<!tpu.dma_semaphore, #tpu.memory_space<semaphore_mem>>)
      %mul3A_82 = arith.constant 256 : i32
      %mul3A_83 = arith.muli %add3A_73, %mul3A_82 : i32
      %dma_start3A_84 = arith.constant 0 : i32
      %dma_start3A_85 = tpu.memref_slice %arg2[%mul3A_83, %dma_start3A_84] : memref<320000x128xf32, #tpu.memory_space<hbm>> -> memref<256x128xf32, #tpu.memory_space<hbm>>
      %dma_start3A_86 = arith.constant 0 : i32
      %dma_start3A_87 = tpu.memref_slice %arg2[%mul3A_83, %dma_start3A_86] : memref<320000x128xf32, #tpu.memory_space<hbm>> -> memref<256x128xf32, #tpu.memory_space<hbm>>
      tpu.enqueue_dma source(%dma_start3A_87 : memref<256x128xf32, #tpu.memory_space<hbm>>) target(%arg9 : memref<256x128xf32, #tpu.memory_space<vmem>>) target_semaphore(%arg12 : memref<!tpu.dma_semaphore, #tpu.memory_space<semaphore_mem>>)
      %get3A = arith.constant 0 : i32
      %get3A_88 = arith.index_cast %get3A : i32 to index
      %get3A_89 = arith.constant 0 : index
      %get3A_90 = tpu.vector_load %arg6[%get3A_88, %get3A_89] {strides = array<i32>} : memref<2x128xi32, #tpu.memory_space<vmem>>, vector<1x16xi32>,
      %get3A_91 = vector.shape_cast %get3A_90 : vector<1x16xi32> to vector<16xi32>
      %sub3A = vector.broadcast %mul3A_4 : i32 to vector<16xi32>
      %sub3A_92 = arith.subi %get3A_91, %sub3A : vector<16xi32>
      %ge3A = arith.constant 0 : i32
      %ge3A_93 = vector.broadcast %ge3A : i32 to vector<16xi32>
      %ge3A_94 = arith.cmpi sge, %sub3A_92, %ge3A_93 : vector<16xi32>
      %lt3A_95 = arith.constant 5000 : i32
      %lt3A_96 = vector.broadcast %lt3A_95 : i32 to vector<16xi32>
      %lt3A_97 = arith.cmpi slt, %sub3A_92, %lt3A_96 : vector<16xi32>
      %and3A_98 = arith.andi %ge3A_94, %lt3A_97 : vector<16xi1>
      %select_n3A = arith.select %and3A_98, %sub3A_92, %add3A_8 : vector<16xi1>, vector<16xi32>
      %swap3A = arith.constant 0 : i32
      %swap3A_99 = arith.index_cast %swap3A : i32 to index
      %swap3A_100 = arith.constant 0 : index
      %swap3A_101 = tpu.vector_load %arg6[%swap3A_99, %swap3A_100] {strides = array<i32>} : memref<2x128xi32, #tpu.memory_space<vmem>>, vector<1x16xi32>,
      %swap3A_102 = vector.shape_cast %swap3A_101 : vector<1x16xi32> to vector<16xi32>
      %swap3A_103 = vector.shape_cast %select_n3A : vector<16xi32> to vector<1x16xi32>
      tpu.vector_store %arg6[%swap3A_99, %swap3A_100], %swap3A_103 {strides = array<i32>} : memref<2x128xi32, #tpu.memory_space<vmem>>, vector<1x16xi32>,
      %get3A_104 = arith.constant 0 : i32
      %get3A_105 = arith.index_cast %get3A_104 : i32 to index
      %get3A_106 = arith.constant 16 : index
      %get3A_107 = tpu.vector_load %arg6[%get3A_105, %get3A_106] {strides = array<i32>} : memref<2x128xi32, #tpu.memory_space<vmem>>, vector<1x16xi32>,
      %get3A_108 = vector.shape_cast %get3A_107 : vector<1x16xi32> to vector<16xi32>
      %sub3A_109 = vector.broadcast %mul3A_4 : i32 to vector<16xi32>
      %sub3A_110 = arith.subi %get3A_108, %sub3A_109 : vector<16xi32>
      %ge3A_111 = arith.constant 0 : i32
      %ge3A_112 = vector.broadcast %ge3A_111 : i32 to vector<16xi32>
      %ge3A_113 = arith.cmpi sge, %sub3A_110, %ge3A_112 : vector<16xi32>
      %lt3A_114 = arith.constant 5000 : i32
      %lt3A_115 = vector.broadcast %lt3A_114 : i32 to vector<16xi32>
      %lt3A_116 = arith.cmpi slt, %sub3A_110, %lt3A_115 : vector<16xi32>
      %and3A_117 = arith.andi %ge3A_113, %lt3A_116 : vector<16xi1>
      %select_n3A_118 = arith.select %and3A_117, %sub3A_110, %add3A_8 : vector<16xi1>, vector<16xi32>
      %swap3A_119 = arith.constant 0 : i32
      %swap3A_120 = arith.index_cast %swap3A_119 : i32 to index
      %swap3A_121 = arith.constant 16 : index
      %swap3A_122 = tpu.vector_load %arg6[%swap3A_120, %swap3A_121] {strides = array<i32>} : memref<2x128xi32, #tpu.memory_space<vmem>>, vector<1x16xi32>,
      %swap3A_123 = vector.shape_cast %swap3A_122 : vector<1x16xi32> to vector<16xi32>
      %swap3A_124 = vector.shape_cast %select_n3A_118 : vector<16xi32> to vector<1x16xi32>
      tpu.vector_store %arg6[%swap3A_120, %swap3A_121], %swap3A_124 {strides = array<i32>} : memref<2x128xi32, #tpu.memory_space<vmem>>, vector<1x16xi32>,
      %get3A_125 = arith.constant 0 : i32
      %get3A_126 = arith.index_cast %get3A_125 : i32 to index
      %get3A_127 = arith.constant 32 : index
      %get3A_128 = tpu.vector_load %arg6[%get3A_126, %get3A_127] {strides = array<i32>} : memref<2x128xi32, #tpu.memory_space<vmem>>, vector<1x16xi32>,
      %get3A_129 = vector.shape_cast %get3A_128 : vector<1x16xi32> to vector<16xi32>
      %sub3A_130 = vector.broadcast %mul3A_4 : i32 to vector<16xi32>
      %sub3A_131 = arith.subi %get3A_129, %sub3A_130 : vector<16xi32>
      %ge3A_132 = arith.constant 0 : i32
      %ge3A_133 = vector.broadcast %ge3A_132 : i32 to vector<16xi32>
      %ge3A_134 = arith.cmpi sge, %sub3A_131, %ge3A_133 : vector<16xi32>
      %lt3A_135 = arith.constant 5000 : i32
      %lt3A_136 = vector.broadcast %lt3A_135 : i32 to vector<16xi32>
      %lt3A_137 = arith.cmpi slt, %sub3A_131, %lt3A_136 : vector<16xi32>
      %and3A_138 = arith.andi %ge3A_134, %lt3A_137 : vector<16xi1>
      %select_n3A_139 = arith.select %and3A_138, %sub3A_131, %add3A_8 : vector<16xi1>, vector<16xi32>
      %swap3A_140 = arith.constant 0 : i32
      %swap3A_141 = arith.index_cast %swap3A_140 : i32 to index
      %swap3A_142 = arith.constant 32 : index
      %swap3A_143 = tpu.vector_load %arg6[%swap3A_141, %swap3A_142] {strides = array<i32>} : memref<2x128xi32, #tpu.memory_space<vmem>>, vector<1x16xi32>,
      %swap3A_144 = vector.shape_cast %swap3A_143 : vector<1x16xi32> to vector<16xi32>
      %swap3A_145 = vector.shape_cast %select_n3A_139 : vector<16xi32> to vector<1x16xi32>
      tpu.vector_store %arg6[%swap3A_141, %swap3A_142], %swap3A_145 {strides = array<i32>} : memref<2x128xi32, #tpu.memory_space<vmem>>, vector<1x16xi32>,
      %get3A_146 = arith.constant 0 : i32
      %get3A_147 = arith.index_cast %get3A_146 : i32 to index
      %get3A_148 = arith.constant 48 : index
      %get3A_149 = tpu.vector_load %arg6[%get3A_147, %get3A_148] {strides = array<i32>} : memref<2x128xi32, #tpu.memory_space<vmem>>, vector<1x16xi32>,
      %get3A_150 = vector.shape_cast %get3A_149 : vector<1x16xi32> to vector<16xi32>
      %sub3A_151 = vector.broadcast %mul3A_4 : i32 to vector<16xi32>
      %sub3A_152 = arith.subi %get3A_150, %sub3A_151 : vector<16xi32>
      %ge3A_153 = arith.constant 0 : i32
      %ge3A_154 = vector.broadcast %ge3A_153 : i32 to vector<16xi32>
      %ge3A_155 = arith.cmpi sge, %sub3A_152, %ge3A_154 : vector<16xi32>
      %lt3A_156 = arith.constant 5000 : i32
      %lt3A_157 = vector.broadcast %lt3A_156 : i32 to vector<16xi32>
      %lt3A_158 = arith.cmpi slt, %sub3A_152, %lt3A_157 : vector<16xi32>
      %and3A_159 = arith.andi %ge3A_155, %lt3A_158 : vector<16xi1>
      %select_n3A_160 = arith.select %and3A_159, %sub3A_152, %add3A_8 : vector<16xi1>, vector<16xi32>
      %swap3A_161 = arith.constant 0 : i32
      %swap3A_162 = arith.index_cast %swap3A_161 : i32 to index
      %swap3A_163 = arith.constant 48 : index
      %swap3A_164 = tpu.vector_load %arg6[%swap3A_162, %swap3A_163] {strides = array<i32>} : memref<2x128xi32, #tpu.memory_space<vmem>>, vector<1x16xi32>,
      %swap3A_165 = vector.shape_cast %swap3A_164 : vector<1x16xi32> to vector<16xi32>
      %swap3A_166 = vector.shape_cast %select_n3A_160 : vector<16xi32> to vector<1x16xi32>
      tpu.vector_store %arg6[%swap3A_162, %swap3A_163], %swap3A_166 {strides = array<i32>} : memref<2x128xi32, #tpu.memory_space<vmem>>, vector<1x16xi32>,
      %get3A_167 = arith.constant 0 : i32
      %get3A_168 = arith.index_cast %get3A_167 : i32 to index
      %get3A_169 = arith.constant 64 : index
      %get3A_170 = tpu.vector_load %arg6[%get3A_168, %get3A_169] {strides = array<i32>} : memref<2x128xi32, #tpu.memory_space<vmem>>, vector<1x16xi32>,
      %get3A_171 = vector.shape_cast %get3A_170 : vector<1x16xi32> to vector<16xi32>
      %sub3A_172 = vector.broadcast %mul3A_4 : i32 to vector<16xi32>
      %sub3A_173 = arith.subi %get3A_171, %sub3A_172 : vector<16xi32>
      %ge3A_174 = arith.constant 0 : i32
      %ge3A_175 = vector.broadcast %ge3A_174 : i32 to vector<16xi32>
      %ge3A_176 = arith.cmpi sge, %sub3A_173, %ge3A_175 : vector<16xi32>
      %lt3A_177 = arith.constant 5000 : i32
      %lt3A_178 = vector.broadcast %lt3A_177 : i32 to vector<16xi32>
      %lt3A_179 = arith.cmpi slt, %sub3A_173, %lt3A_178 : vector<16xi32>
      %and3A_180 = arith.andi %ge3A_176, %lt3A_179 : vector<16xi1>
      %select_n3A_181 = arith.select %and3A_180, %sub3A_173, %add3A_8 : vector<16xi1>, vector<16xi32>
      %swap3A_182 = arith.constant 0 : i32
      %swap3A_183 = arith.index_cast %swap3A_182 : i32 to index
      %swap3A_184 = arith.constant 64 : index
      %swap3A_185 = tpu.vector_load %arg6[%swap3A_183, %swap3A_184] {strides = array<i32>} : memref<2x128xi32, #tpu.memory_space<vmem>>, vector<1x16xi32>,
      %swap3A_186 = vector.shape_cast %swap3A_185 : vector<1x16xi32> to vector<16xi32>
      %swap3A_187 = vector.shape_cast %select_n3A_181 : vector<16xi32> to vector<1x16xi32>
      tpu.vector_store %arg6[%swap3A_183, %swap3A_184], %swap3A_187 {strides = array<i32>} : memref<2x128xi32, #tpu.memory_space<vmem>>, vector<1x16xi32>,
      %get3A_188 = arith.constant 0 : i32
      %get3A_189 = arith.index_cast %get3A_188 : i32 to index
      %get3A_190 = arith.constant 80 : index
      %get3A_191 = tpu.vector_load %arg6[%get3A_189, %get3A_190] {strides = array<i32>} : memref<2x128xi32, #tpu.memory_space<vmem>>, vector<1x16xi32>,
      %get3A_192 = vector.shape_cast %get3A_191 : vector<1x16xi32> to vector<16xi32>
      %sub3A_193 = vector.broadcast %mul3A_4 : i32 to vector<16xi32>
      %sub3A_194 = arith.subi %get3A_192, %sub3A_193 : vector<16xi32>
      %ge3A_195 = arith.constant 0 : i32
      %ge3A_196 = vector.broadcast %ge3A_195 : i32 to vector<16xi32>
      %ge3A_197 = arith.cmpi sge, %sub3A_194, %ge3A_196 : vector<16xi32>
      %lt3A_198 = arith.constant 5000 : i32
      %lt3A_199 = vector.broadcast %lt3A_198 : i32 to vector<16xi32>
      %lt3A_200 = arith.cmpi slt, %sub3A_194, %lt3A_199 : vector<16xi32>
      %and3A_201 = arith.andi %ge3A_197, %lt3A_200 : vector<16xi1>
      %select_n3A_202 = arith.select %and3A_201, %sub3A_194, %add3A_8 : vector<16xi1>, vector<16xi32>
      %swap3A_203 = arith.constant 0 : i32
      %swap3A_204 = arith.index_cast %swap3A_203 : i32 to index
      %swap3A_205 = arith.constant 80 : index
      %swap3A_206 = tpu.vector_load %arg6[%swap3A_204, %swap3A_205] {strides = array<i32>} : memref<2x128xi32, #tpu.memory_space<vmem>>, vector<1x16xi32>,
      %swap3A_207 = vector.shape_cast %swap3A_206 : vector<1x16xi32> to vector<16xi32>
      %swap3A_208 = vector.shape_cast %select_n3A_202 : vector<16xi32> to vector<1x16xi32>
      tpu.vector_store %arg6[%swap3A_204, %swap3A_205], %swap3A_208 {strides = array<i32>} : memref<2x128xi32, #tpu.memory_space<vmem>>, vector<1x16xi32>,
      %get3A_209 = arith.constant 0 : i32
      %get3A_210 = arith.index_cast %get3A_209 : i32 to index
      %get3A_211 = arith.constant 96 : index
      %get3A_212 = tpu.vector_load %arg6[%get3A_210, %get3A_211] {strides = array<i32>} : memref<2x128xi32, #tpu.memory_space<vmem>>, vector<1x16xi32>,
      %get3A_213 = vector.shape_cast %get3A_212 : vector<1x16xi32> to vector<16xi32>
      %sub3A_214 = vector.broadcast %mul3A_4 : i32 to vector<16xi32>
      %sub3A_215 = arith.subi %get3A_213, %sub3A_214 : vector<16xi32>
      %ge3A_216 = arith.constant 0 : i32
      %ge3A_217 = vector.broadcast %ge3A_216 : i32 to vector<16xi32>
      %ge3A_218 = arith.cmpi sge, %sub3A_215, %ge3A_217 : vector<16xi32>
      %lt3A_219 = arith.constant 5000 : i32
      %lt3A_220 = vector.broadcast %lt3A_219 : i32 to vector<16xi32>
      %lt3A_221 = arith.cmpi slt, %sub3A_215, %lt3A_220 : vector<16xi32>
      %and3A_222 = arith.andi %ge3A_218, %lt3A_221 : vector<16xi1>
      %select_n3A_223 = arith.select %and3A_222, %sub3A_215, %add3A_8 : vector<16xi1>, vector<16xi32>
      %swap3A_224 = arith.constant 0 : i32
      %swap3A_225 = arith.index_cast %swap3A_224 : i32 to index
      %swap3A_226 = arith.constant 96 : index
      %swap3A_227 = tpu.vector_load %arg6[%swap3A_225, %swap3A_226] {strides = array<i32>} : memref<2x128xi32, #tpu.memory_space<vmem>>, vector<1x16xi32>,
      %swap3A_228 = vector.shape_cast %swap3A_227 : vector<1x16xi32> to vector<16xi32>
      %swap3A_229 = vector.shape_cast %select_n3A_223 : vector<16xi32> to vector<1x16xi32>
      tpu.vector_store %arg6[%swap3A_225, %swap3A_226], %swap3A_229 {strides = array<i32>} : memref<2x128xi32, #tpu.memory_space<vmem>>, vector<1x16xi32>,
      %get3A_230 = arith.constant 0 : i32
      %get3A_231 = arith.index_cast %get3A_230 : i32 to index
      %get3A_232 = arith.constant 112 : index
      %get3A_233 = tpu.vector_load %arg6[%get3A_231, %get3A_232] {strides = array<i32>} : memref<2x128xi32, #tpu.memory_space<vmem>>, vector<1x16xi32>,
      %get3A_234 = vector.shape_cast %get3A_233 : vector<1x16xi32> to vector<16xi32>
      %sub3A_235 = vector.broadcast %mul3A_4 : i32 to vector<16xi32>
      %sub3A_236 = arith.subi %get3A_234, %sub3A_235 : vector<16xi32>
      %ge3A_237 = arith.constant 0 : i32
      %ge3A_238 = vector.broadcast %ge3A_237 : i32 to vector<16xi32>
      %ge3A_239 = arith.cmpi sge, %sub3A_236, %ge3A_238 : vector<16xi32>
      %lt3A_240 = arith.constant 5000 : i32
      %lt3A_241 = vector.broadcast %lt3A_240 : i32 to vector<16xi32>
      %lt3A_242 = arith.cmpi slt, %sub3A_236, %lt3A_241 : vector<16xi32>
      %and3A_243 = arith.andi %ge3A_239, %lt3A_242 : vector<16xi1>
      %select_n3A_244 = arith.select %and3A_243, %sub3A_236, %add3A_8 : vector<16xi1>, vector<16xi32>
      %swap3A_245 = arith.constant 0 : i32
      %swap3A_246 = arith.index_cast %swap3A_245 : i32 to index
      %swap3A_247 = arith.constant 112 : index
      %swap3A_248 = tpu.vector_load %arg6[%swap3A_246, %swap3A_247] {strides = array<i32>} : memref<2x128xi32, #tpu.memory_space<vmem>>, vector<1x16xi32>,
      %swap3A_249 = vector.shape_cast %swap3A_248 : vector<1x16xi32> to vector<16xi32>
      %swap3A_250 = vector.shape_cast %select_n3A_244 : vector<16xi32> to vector<1x16xi32>
      tpu.vector_store %arg6[%swap3A_246, %swap3A_247], %swap3A_250 {strides = array<i32>} : memref<2x128xi32, #tpu.memory_space<vmem>>, vector<1x16xi32>,
      %get3A_251 = arith.constant 1 : i32
      %get3A_252 = arith.index_cast %get3A_251 : i32 to index
      %get3A_253 = arith.constant 0 : index
      %get3A_254 = tpu.vector_load %arg6[%get3A_252, %get3A_253] {strides = array<i32>} : memref<2x128xi32, #tpu.memory_space<vmem>>, vector<1x16xi32>,
      %get3A_255 = vector.shape_cast %get3A_254 : vector<1x16xi32> to vector<16xi32>
      %sub3A_256 = vector.broadcast %mul3A_4 : i32 to vector<16xi32>
      %sub3A_257 = arith.subi %get3A_255, %sub3A_256 : vector<16xi32>
      %ge3A_258 = arith.constant 0 : i32
      %ge3A_259 = vector.broadcast %ge3A_258 : i32 to vector<16xi32>
      %ge3A_260 = arith.cmpi sge, %sub3A_257, %ge3A_259 : vector<16xi32>
      %lt3A_261 = arith.constant 5000 : i32
      %lt3A_262 = vector.broadcast %lt3A_261 : i32 to vector<16xi32>
      %lt3A_263 = arith.cmpi slt, %sub3A_257, %lt3A_262 : vector<16xi32>
      %and3A_264 = arith.andi %ge3A_260, %lt3A_263 : vector<16xi1>
      %select_n3A_265 = arith.select %and3A_264, %sub3A_257, %add3A_8 : vector<16xi1>, vector<16xi32>
      %swap3A_266 = arith.constant 1 : i32
      %swap3A_267 = arith.index_cast %swap3A_266 : i32 to index
      %swap3A_268 = arith.constant 0 : index
      %swap3A_269 = tpu.vector_load %arg6[%swap3A_267, %swap3A_268] {strides = array<i32>} : memref<2x128xi32, #tpu.memory_space<vmem>>, vector<1x16xi32>,
      %swap3A_270 = vector.shape_cast %swap3A_269 : vector<1x16xi32> to vector<16xi32>
      %swap3A_271 = vector.shape_cast %select_n3A_265 : vector<16xi32> to vector<1x16xi32>
      tpu.vector_store %arg6[%swap3A_267, %swap3A_268], %swap3A_271 {strides = array<i32>} : memref<2x128xi32, #tpu.memory_space<vmem>>, vector<1x16xi32>,
      %get3A_272 = arith.constant 1 : i32
      %get3A_273 = arith.index_cast %get3A_272 : i32 to index
      %get3A_274 = arith.constant 16 : index
      %get3A_275 = tpu.vector_load %arg6[%get3A_273, %get3A_274] {strides = array<i32>} : memref<2x128xi32, #tpu.memory_space<vmem>>, vector<1x16xi32>,
      %get3A_276 = vector.shape_cast %get3A_275 : vector<1x16xi32> to vector<16xi32>
      %sub3A_277 = vector.broadcast %mul3A_4 : i32 to vector<16xi32>
      %sub3A_278 = arith.subi %get3A_276, %sub3A_277 : vector<16xi32>
      %ge3A_279 = arith.constant 0 : i32
      %ge3A_280 = vector.broadcast %ge3A_279 : i32 to vector<16xi32>
      %ge3A_281 = arith.cmpi sge, %sub3A_278, %ge3A_280 : vector<16xi32>
      %lt3A_282 = arith.constant 5000 : i32
      %lt3A_283 = vector.broadcast %lt3A_282 : i32 to vector<16xi32>
      %lt3A_284 = arith.cmpi slt, %sub3A_278, %lt3A_283 : vector<16xi32>
      %and3A_285 = arith.andi %ge3A_281, %lt3A_284 : vector<16xi1>
      %select_n3A_286 = arith.select %and3A_285, %sub3A_278, %add3A_8 : vector<16xi1>, vector<16xi32>
      %swap3A_287 = arith.constant 1 : i32
      %swap3A_288 = arith.index_cast %swap3A_287 : i32 to index
      %swap3A_289 = arith.constant 16 : index
      %swap3A_290 = tpu.vector_load %arg6[%swap3A_288, %swap3A_289] {strides = array<i32>} : memref<2x128xi32, #tpu.memory_space<vmem>>, vector<1x16xi32>,
      %swap3A_291 = vector.shape_cast %swap3A_290 : vector<1x16xi32> to vector<16xi32>
      %swap3A_292 = vector.shape_cast %select_n3A_286 : vector<16xi32> to vector<1x16xi32>
      tpu.vector_store %arg6[%swap3A_288, %swap3A_289], %swap3A_292 {strides = array<i32>} : memref<2x128xi32, #tpu.memory_space<vmem>>, vector<1x16xi32>,
      %get3A_293 = arith.constant 1 : i32
      %get3A_294 = arith.index_cast %get3A_293 : i32 to index
      %get3A_295 = arith.constant 32 : index
      %get3A_296 = tpu.vector_load %arg6[%get3A_294, %get3A_295] {strides = array<i32>} : memref<2x128xi32, #tpu.memory_space<vmem>>, vector<1x16xi32>,
      %get3A_297 = vector.shape_cast %get3A_296 : vector<1x16xi32> to vector<16xi32>
      %sub3A_298 = vector.broadcast %mul3A_4 : i32 to vector<16xi32>
      %sub3A_299 = arith.subi %get3A_297, %sub3A_298 : vector<16xi32>
      %ge3A_300 = arith.constant 0 : i32
      %ge3A_301 = vector.broadcast %ge3A_300 : i32 to vector<16xi32>
      %ge3A_302 = arith.cmpi sge, %sub3A_299, %ge3A_301 : vector<16xi32>
      %lt3A_303 = arith.constant 5000 : i32
      %lt3A_304 = vector.broadcast %lt3A_303 : i32 to vector<16xi32>
      %lt3A_305 = arith.cmpi slt, %sub3A_299, %lt3A_304 : vector<16xi32>
      %and3A_306 = arith.andi %ge3A_302, %lt3A_305 : vector<16xi1>
      %select_n3A_307 = arith.select %and3A_306, %sub3A_299, %add3A_8 : vector<16xi1>, vector<16xi32>
      %swap3A_308 = arith.constant 1 : i32
      %swap3A_309 = arith.index_cast %swap3A_308 : i32 to index
      %swap3A_310 = arith.constant 32 : index
      %swap3A_311 = tpu.vector_load %arg6[%swap3A_309, %swap3A_310] {strides = array<i32>} : memref<2x128xi32, #tpu.memory_space<vmem>>, vector<1x16xi32>,
      %swap3A_312 = vector.shape_cast %swap3A_311 : vector<1x16xi32> to vector<16xi32>
      %swap3A_313 = vector.shape_cast %select_n3A_307 : vector<16xi32> to vector<1x16xi32>
      tpu.vector_store %arg6[%swap3A_309, %swap3A_310], %swap3A_313 {strides = array<i32>} : memref<2x128xi32, #tpu.memory_space<vmem>>, vector<1x16xi32>,
      %get3A_314 = arith.constant 1 : i32
      %get3A_315 = arith.index_cast %get3A_314 : i32 to index
      %get3A_316 = arith.constant 48 : index
      %get3A_317 = tpu.vector_load %arg6[%get3A_315, %get3A_316] {strides = array<i32>} : memref<2x128xi32, #tpu.memory_space<vmem>>, vector<1x16xi32>,
      %get3A_318 = vector.shape_cast %get3A_317 : vector<1x16xi32> to vector<16xi32>
      %sub3A_319 = vector.broadcast %mul3A_4 : i32 to vector<16xi32>
      %sub3A_320 = arith.subi %get3A_318, %sub3A_319 : vector<16xi32>
      %ge3A_321 = arith.constant 0 : i32
      %ge3A_322 = vector.broadcast %ge3A_321 : i32 to vector<16xi32>
      %ge3A_323 = arith.cmpi sge, %sub3A_320, %ge3A_322 : vector<16xi32>
      %lt3A_324 = arith.constant 5000 : i32
      %lt3A_325 = vector.broadcast %lt3A_324 : i32 to vector<16xi32>
      %lt3A_326 = arith.cmpi slt, %sub3A_320, %lt3A_325 : vector<16xi32>
      %and3A_327 = arith.andi %ge3A_323, %lt3A_326 : vector<16xi1>
      %select_n3A_328 = arith.select %and3A_327, %sub3A_320, %add3A_8 : vector<16xi1>, vector<16xi32>
      %swap3A_329 = arith.constant 1 : i32
      %swap3A_330 = arith.index_cast %swap3A_329 : i32 to index
      %swap3A_331 = arith.constant 48 : index
      %swap3A_332 = tpu.vector_load %arg6[%swap3A_330, %swap3A_331] {strides = array<i32>} : memref<2x128xi32, #tpu.memory_space<vmem>>, vector<1x16xi32>,
      %swap3A_333 = vector.shape_cast %swap3A_332 : vector<1x16xi32> to vector<16xi32>
      %swap3A_334 = vector.shape_cast %select_n3A_328 : vector<16xi32> to vector<1x16xi32>
      tpu.vector_store %arg6[%swap3A_330, %swap3A_331], %swap3A_334 {strides = array<i32>} : memref<2x128xi32, #tpu.memory_space<vmem>>, vector<1x16xi32>,
      %get3A_335 = arith.constant 1 : i32
      %get3A_336 = arith.index_cast %get3A_335 : i32 to index
      %get3A_337 = arith.constant 64 : index
      %get3A_338 = tpu.vector_load %arg6[%get3A_336, %get3A_337] {strides = array<i32>} : memref<2x128xi32, #tpu.memory_space<vmem>>, vector<1x16xi32>,
      %get3A_339 = vector.shape_cast %get3A_338 : vector<1x16xi32> to vector<16xi32>
      %sub3A_340 = vector.broadcast %mul3A_4 : i32 to vector<16xi32>
      %sub3A_341 = arith.subi %get3A_339, %sub3A_340 : vector<16xi32>
      %ge3A_342 = arith.constant 0 : i32
      %ge3A_343 = vector.broadcast %ge3A_342 : i32 to vector<16xi32>
      %ge3A_344 = arith.cmpi sge, %sub3A_341, %ge3A_343 : vector<16xi32>
      %lt3A_345 = arith.constant 5000 : i32
      %lt3A_346 = vector.broadcast %lt3A_345 : i32 to vector<16xi32>
      %lt3A_347 = arith.cmpi slt, %sub3A_341, %lt3A_346 : vector<16xi32>
      %and3A_348 = arith.andi %ge3A_344, %lt3A_347 : vector<16xi1>
      %select_n3A_349 = arith.select %and3A_348, %sub3A_341, %add3A_8 : vector<16xi1>, vector<16xi32>
      %swap3A_350 = arith.constant 1 : i32
      %swap3A_351 = arith.index_cast %swap3A_350 : i32 to index
      %swap3A_352 = arith.constant 64 : index
      %swap3A_353 = tpu.vector_load %arg6[%swap3A_351, %swap3A_352] {strides = array<i32>} : memref<2x128xi32, #tpu.memory_space<vmem>>, vector<1x16xi32>,
      %swap3A_354 = vector.shape_cast %swap3A_353 : vector<1x16xi32> to vector<16xi32>
      %swap3A_355 = vector.shape_cast %select_n3A_349 : vector<16xi32> to vector<1x16xi32>
      tpu.vector_store %arg6[%swap3A_351, %swap3A_352], %swap3A_355 {strides = array<i32>} : memref<2x128xi32, #tpu.memory_space<vmem>>, vector<1x16xi32>,
      %get3A_356 = arith.constant 1 : i32
      %get3A_357 = arith.index_cast %get3A_356 : i32 to index
      %get3A_358 = arith.constant 80 : index
      %get3A_359 = tpu.vector_load %arg6[%get3A_357, %get3A_358] {strides = array<i32>} : memref<2x128xi32, #tpu.memory_space<vmem>>, vector<1x16xi32>,
      %get3A_360 = vector.shape_cast %get3A_359 : vector<1x16xi32> to vector<16xi32>
      %sub3A_361 = vector.broadcast %mul3A_4 : i32 to vector<16xi32>
      %sub3A_362 = arith.subi %get3A_360, %sub3A_361 : vector<16xi32>
      %ge3A_363 = arith.constant 0 : i32
      %ge3A_364 = vector.broadcast %ge3A_363 : i32 to vector<16xi32>
      %ge3A_365 = arith.cmpi sge, %sub3A_362, %ge3A_364 : vector<16xi32>
      %lt3A_366 = arith.constant 5000 : i32
      %lt3A_367 = vector.broadcast %lt3A_366 : i32 to vector<16xi32>
      %lt3A_368 = arith.cmpi slt, %sub3A_362, %lt3A_367 : vector<16xi32>
      %and3A_369 = arith.andi %ge3A_365, %lt3A_368 : vector<16xi1>
      %select_n3A_370 = arith.select %and3A_369, %sub3A_362, %add3A_8 : vector<16xi1>, vector<16xi32>
      %swap3A_371 = arith.constant 1 : i32
      %swap3A_372 = arith.index_cast %swap3A_371 : i32 to index
      %swap3A_373 = arith.constant 80 : index
      %swap3A_374 = tpu.vector_load %arg6[%swap3A_372, %swap3A_373] {strides = array<i32>} : memref<2x128xi32, #tpu.memory_space<vmem>>, vector<1x16xi32>,
      %swap3A_375 = vector.shape_cast %swap3A_374 : vector<1x16xi32> to vector<16xi32>
      %swap3A_376 = vector.shape_cast %select_n3A_370 : vector<16xi32> to vector<1x16xi32>
      tpu.vector_store %arg6[%swap3A_372, %swap3A_373], %swap3A_376 {strides = array<i32>} : memref<2x128xi32, #tpu.memory_space<vmem>>, vector<1x16xi32>,
      %get3A_377 = arith.constant 1 : i32
      %get3A_378 = arith.index_cast %get3A_377 : i32 to index
      %get3A_379 = arith.constant 96 : index
      %get3A_380 = tpu.vector_load %arg6[%get3A_378, %get3A_379] {strides = array<i32>} : memref<2x128xi32, #tpu.memory_space<vmem>>, vector<1x16xi32>,
      %get3A_381 = vector.shape_cast %get3A_380 : vector<1x16xi32> to vector<16xi32>
      %sub3A_382 = vector.broadcast %mul3A_4 : i32 to vector<16xi32>
      %sub3A_383 = arith.subi %get3A_381, %sub3A_382 : vector<16xi32>
      %ge3A_384 = arith.constant 0 : i32
      %ge3A_385 = vector.broadcast %ge3A_384 : i32 to vector<16xi32>
      %ge3A_386 = arith.cmpi sge, %sub3A_383, %ge3A_385 : vector<16xi32>
      %lt3A_387 = arith.constant 5000 : i32
      %lt3A_388 = vector.broadcast %lt3A_387 : i32 to vector<16xi32>
      %lt3A_389 = arith.cmpi slt, %sub3A_383, %lt3A_388 : vector<16xi32>
      %and3A_390 = arith.andi %ge3A_386, %lt3A_389 : vector<16xi1>
      %select_n3A_391 = arith.select %and3A_390, %sub3A_383, %add3A_8 : vector<16xi1>, vector<16xi32>
      %swap3A_392 = arith.constant 1 : i32
      %swap3A_393 = arith.index_cast %swap3A_392 : i32 to index
      %swap3A_394 = arith.constant 96 : index
      %swap3A_395 = tpu.vector_load %arg6[%swap3A_393, %swap3A_394] {strides = array<i32>} : memref<2x128xi32, #tpu.memory_space<vmem>>, vector<1x16xi32>,
      %swap3A_396 = vector.shape_cast %swap3A_395 : vector<1x16xi32> to vector<16xi32>
      %swap3A_397 = vector.shape_cast %select_n3A_391 : vector<16xi32> to vector<1x16xi32>
      tpu.vector_store %arg6[%swap3A_393, %swap3A_394], %swap3A_397 {strides = array<i32>} : memref<2x128xi32, #tpu.memory_space<vmem>>, vector<1x16xi32>,
      %get3A_398 = arith.constant 1 : i32
      %get3A_399 = arith.index_cast %get3A_398 : i32 to index
      %get3A_400 = arith.constant 112 : index
      %get3A_401 = tpu.vector_load %arg6[%get3A_399, %get3A_400] {strides = array<i32>} : memref<2x128xi32, #tpu.memory_space<vmem>>, vector<1x16xi32>,
      %get3A_402 = vector.shape_cast %get3A_401 : vector<1x16xi32> to vector<16xi32>
      %sub3A_403 = vector.broadcast %mul3A_4 : i32 to vector<16xi32>
      %sub3A_404 = arith.subi %get3A_402, %sub3A_403 : vector<16xi32>
      %ge3A_405 = arith.constant 0 : i32
      %ge3A_406 = vector.broadcast %ge3A_405 : i32 to vector<16xi32>
      %ge3A_407 = arith.cmpi sge, %sub3A_404, %ge3A_406 : vector<16xi32>
      %lt3A_408 = arith.constant 5000 : i32
      %lt3A_409 = vector.broadcast %lt3A_408 : i32 to vector<16xi32>
      %lt3A_410 = arith.cmpi slt, %sub3A_404, %lt3A_409 : vector<16xi32>
      %and3A_411 = arith.andi %ge3A_407, %lt3A_410 : vector<16xi1>
      %select_n3A_412 = arith.select %and3A_411, %sub3A_404, %add3A_8 : vector<16xi1>, vector<16xi32>
      %swap3A_413 = arith.constant 1 : i32
      %swap3A_414 = arith.index_cast %swap3A_413 : i32 to index
      %swap3A_415 = arith.constant 112 : index
      %swap3A_416 = tpu.vector_load %arg6[%swap3A_414, %swap3A_415] {strides = array<i32>} : memref<2x128xi32, #tpu.memory_space<vmem>>, vector<1x16xi32>,
      %swap3A_417 = vector.shape_cast %swap3A_416 : vector<1x16xi32> to vector<16xi32>
      %swap3A_418 = vector.shape_cast %select_n3A_412 : vector<16xi32> to vector<1x16xi32>
      tpu.vector_store %arg6[%swap3A_414, %swap3A_415], %swap3A_418 {strides = array<i32>} : memref<2x128xi32, #tpu.memory_space<vmem>>, vector<1x16xi32>,
      %run_scoped3A = arith.constant 0 : i32
      "tpu.region"() ({
        %run_scoped3A_789 = tpu.sem_alloc : memref<!tpu.dma_semaphore, #tpu.memory_space<semaphore_mem>>
        %dma_start3A_790 = arith.constant 0 : i32
        %dma_start3A_791 = arith.constant 0 : i32
        %dma_start3A_792 = tpu.memref_slice %arg8[%dma_start3A_790, %dma_start3A_791] : memref<256x128xf32, #tpu.memory_space<vmem>> -> memref<128x128xf32, #tpu.memory_space<vmem>>
        %dma_start3A_793 = arith.constant 0 : i32
        %dma_start3A_794 = tpu.memref_slice %arg6[%run_scoped3A, %dma_start3A_793] : memref<2x128xi32, #tpu.memory_space<vmem>> -> memref<1x128xi32, #tpu.memory_space<vmem>>
        %dma_start3A_795 = tpu.memref_squeeze %dma_start3A_794 : memref<1x128xi32, #tpu.memory_space<vmem>> -> memref<128xi32, #tpu.memory_space<vmem>>
        %dma_start3A_796 = arith.constant 0 : i32
        %dma_start3A_797 = arith.constant 0 : i32
        %dma_start3A_798 = tpu.memref_slice %arg10[%dma_start3A_796, %dma_start3A_797] : memref<5008x128xf32, #tpu.memory_space<vmem_shared>> -> memref<5008x128xf32, #tpu.memory_space<vmem_shared>>
        tpu.enqueue_indirect_dma source(%dma_start3A_792 : memref<128x128xf32, #tpu.memory_space<vmem>>) target(%dma_start3A_798 : memref<5008x128xf32, #tpu.memory_space<vmem_shared>>) offsets(%dma_start3A_795 : memref<128xi32, #tpu.memory_space<vmem>>) semaphore(%run_scoped3A_789 : memref<!tpu.dma_semaphore, #tpu.memory_space<semaphore_mem>>) {add = true}
        %dma_wait3A_799 = arith.constant 0 : i32
        %dma_wait3A_800 = arith.constant 0 : i32
        %dma_wait3A_801 = tpu.memref_slice %arg8[%dma_wait3A_799, %dma_wait3A_800] : memref<256x128xf32, #tpu.memory_space<vmem>> -> memref<128x128xf32, #tpu.memory_space<vmem>>
        %dma_wait3A_802 = arith.constant 0 : i32
        %dma_wait3A_803 = tpu.memref_slice %arg6[%run_scoped3A, %dma_wait3A_802] : memref<2x128xi32, #tpu.memory_space<vmem>> -> memref<1x128xi32, #tpu.memory_space<vmem>>
        %dma_wait3A_804 = tpu.memref_squeeze %dma_wait3A_803 : memref<1x128xi32, #tpu.memory_space<vmem>> -> memref<128xi32, #tpu.memory_space<vmem>>
        %dma_wait3A_805 = arith.constant 0 : i32
        %dma_wait3A_806 = arith.constant 0 : i32
        %dma_wait3A_807 = tpu.memref_slice %arg10[%dma_wait3A_805, %dma_wait3A_806] : memref<5008x128xf32, #tpu.memory_space<vmem_shared>> -> memref<5008x128xf32, #tpu.memory_space<vmem_shared>>
        tpu.wait_indirect_dma semaphore(%run_scoped3A_789 : memref<!tpu.dma_semaphore, #tpu.memory_space<semaphore_mem>>) src(%dma_wait3A_801 : memref<128x128xf32, #tpu.memory_space<vmem>>) dst(%dma_wait3A_807 : memref<5008x128xf32, #tpu.memory_space<vmem_shared>>)
        tpu.yield
      }) : () -> ()
      %run_scoped3A_419 = arith.constant 1 : i32
      "tpu.region"() ({
        %run_scoped3A_789 = tpu.sem_alloc : memref<!tpu.dma_semaphore, #tpu.memory_space<semaphore_mem>>
        %dma_start3A_790 = arith.constant 128 : i32
        %dma_start3A_791 = arith.constant 0 : i32
        %dma_start3A_792 = tpu.memref_slice %arg8[%dma_start3A_790, %dma_start3A_791] : memref<256x128xf32, #tpu.memory_space<vmem>> -> memref<128x128xf32, #tpu.memory_space<vmem>>
        %dma_start3A_793 = arith.constant 0 : i32
        %dma_start3A_794 = tpu.memref_slice %arg6[%run_scoped3A_419, %dma_start3A_793] : memref<2x128xi32, #tpu.memory_space<vmem>> -> memref<1x128xi32, #tpu.memory_space<vmem>>
        %dma_start3A_795 = tpu.memref_squeeze %dma_start3A_794 : memref<1x128xi32, #tpu.memory_space<vmem>> -> memref<128xi32, #tpu.memory_space<vmem>>
        %dma_start3A_796 = arith.constant 0 : i32
        %dma_start3A_797 = arith.constant 0 : i32
        %dma_start3A_798 = tpu.memref_slice %arg10[%dma_start3A_796, %dma_start3A_797] : memref<5008x128xf32, #tpu.memory_space<vmem_shared>> -> memref<5008x128xf32, #tpu.memory_space<vmem_shared>>
        tpu.enqueue_indirect_dma source(%dma_start3A_792 : memref<128x128xf32, #tpu.memory_space<vmem>>) target(%dma_start3A_798 : memref<5008x128xf32, #tpu.memory_space<vmem_shared>>) offsets(%dma_start3A_795 : memref<128xi32, #tpu.memory_space<vmem>>) semaphore(%run_scoped3A_789 : memref<!tpu.dma_semaphore, #tpu.memory_space<semaphore_mem>>) {add = true}
        %dma_wait3A_799 = arith.constant 128 : i32
        %dma_wait3A_800 = arith.constant 0 : i32
        %dma_wait3A_801 = tpu.memref_slice %arg8[%dma_wait3A_799, %dma_wait3A_800] : memref<256x128xf32, #tpu.memory_space<vmem>> -> memref<128x128xf32, #tpu.memory_space<vmem>>
        %dma_wait3A_802 = arith.constant 0 : i32
        %dma_wait3A_803 = tpu.memref_slice %arg6[%run_scoped3A_419, %dma_wait3A_802] : memref<2x128xi32, #tpu.memory_space<vmem>> -> memref<1x128xi32, #tpu.memory_space<vmem>>
        %dma_wait3A_804 = tpu.memref_squeeze %dma_wait3A_803 : memref<1x128xi32, #tpu.memory_space<vmem>> -> memref<128xi32, #tpu.memory_space<vmem>>
        %dma_wait3A_805 = arith.constant 0 : i32
        %dma_wait3A_806 = arith.constant 0 : i32
        %dma_wait3A_807 = tpu.memref_slice %arg10[%dma_wait3A_805, %dma_wait3A_806] : memref<5008x128xf32, #tpu.memory_space<vmem_shared>> -> memref<5008x128xf32, #tpu.memory_space<vmem_shared>>
        tpu.wait_indirect_dma semaphore(%run_scoped3A_789 : memref<!tpu.dma_semaphore, #tpu.memory_space<semaphore_mem>>) src(%dma_wait3A_801 : memref<128x128xf32, #tpu.memory_space<vmem>>) dst(%dma_wait3A_807 : memref<5008x128xf32, #tpu.memory_space<vmem_shared>>)
        tpu.yield
      }) : () -> ()
      %dma_wait3A_420 = arith.constant 0 : i32
      %dma_wait3A_421 = arith.constant 0 : i32
      %dma_wait3A_422 = arith.constant 0 : i32
      %dma_wait3A_423 = tpu.memref_slice %arg3[%dma_wait3A_420, %dma_wait3A_421, %dma_wait3A_422] : memref<1250x2x128xi32, #tpu.memory_space<hbm>> -> memref<1x2x128xi32, #tpu.memory_space<hbm>>
      %dma_wait3A_424 = tpu.memref_squeeze %dma_wait3A_423 : memref<1x2x128xi32, #tpu.memory_space<hbm>> -> memref<2x128xi32, #tpu.memory_space<hbm>>
      %dma_wait3A_425 = arith.constant 0 : i32
      %dma_wait3A_426 = arith.constant 0 : i32
      %dma_wait3A_427 = tpu.memref_slice %arg3[%dma_wait3A_420, %dma_wait3A_425, %dma_wait3A_426] : memref<1250x2x128xi32, #tpu.memory_space<hbm>> -> memref<1x2x128xi32, #tpu.memory_space<hbm>>
      %dma_wait3A_428 = tpu.memref_squeeze %dma_wait3A_427 : memref<1x2x128xi32, #tpu.memory_space<hbm>> -> memref<2x128xi32, #tpu.memory_space<hbm>>
      tpu.wait_dma2 semaphore(%arg12 : memref<!tpu.dma_semaphore, #tpu.memory_space<semaphore_mem>>) src(%dma_wait3A_428 : memref<2x128xi32, #tpu.memory_space<hbm>>) dst(%arg7 : memref<2x128xi32, #tpu.memory_space<vmem>>)
      %dma_wait3A_429 = arith.constant 0 : i32
      %dma_wait3A_430 = arith.constant 0 : i32
      %dma_wait3A_431 = tpu.memref_slice %arg2[%dma_wait3A_429, %dma_wait3A_430] : memref<320000x128xf32, #tpu.memory_space<hbm>> -> memref<256x128xf32, #tpu.memory_space<hbm>>
      %dma_wait3A_432 = arith.constant 0 : i32
      %dma_wait3A_433 = arith.constant 0 : i32
      %dma_wait3A_434 = tpu.memref_slice %arg2[%dma_wait3A_432, %dma_wait3A_433] : memref<320000x128xf32, #tpu.memory_space<hbm>> -> memref<256x128xf32, #tpu.memory_space<hbm>>
      tpu.wait_dma2 semaphore(%arg12 : memref<!tpu.dma_semaphore, #tpu.memory_space<semaphore_mem>>) src(%dma_wait3A_434 : memref<256x128xf32, #tpu.memory_space<hbm>>) dst(%arg9 : memref<256x128xf32, #tpu.memory_space<vmem>>)
      %add3A_435 = arith.constant 2 : i32
      %add3A_436 = arith.addi %add3A_56, %add3A_435 : i32
      %dma_start3A_437 = arith.constant 0 : i32
      %dma_start3A_438 = arith.constant 0 : i32
      %dma_start3A_439 = tpu.memref_slice %arg3[%add3A_436, %dma_start3A_437, %dma_start3A_438] : memref<1250x2x128xi32, #tpu.memory_space<hbm>> -> memref<1x2x128xi32, #tpu.memory_space<hbm>>
      %dma_start3A_440 = tpu.memref_squeeze %dma_start3A_439 : memref<1x2x128xi32, #tpu.memory_space<hbm>> -> memref<2x128xi32, #tpu.memory_space<hbm>>
      %dma_start3A_441 = arith.constant 0 : i32
      %dma_start3A_442 = arith.constant 0 : i32
      %dma_start3A_443 = tpu.memref_slice %arg3[%add3A_436, %dma_start3A_441, %dma_start3A_442] : memref<1250x2x128xi32, #tpu.memory_space<hbm>> -> memref<1x2x128xi32, #tpu.memory_space<hbm>>
      %dma_start3A_444 = tpu.memref_squeeze %dma_start3A_443 : memref<1x2x128xi32, #tpu.memory_space<hbm>> -> memref<2x128xi32, #tpu.memory_space<hbm>>
      tpu.enqueue_dma source(%dma_start3A_444 : memref<2x128xi32, #tpu.memory_space<hbm>>) target(%arg6 : memref<2x128xi32, #tpu.memory_space<vmem>>) target_semaphore(%arg11 : memref<!tpu.dma_semaphore, #tpu.memory_space<semaphore_mem>>)
      %mul3A_445 = arith.constant 256 : i32
      %mul3A_446 = arith.muli %add3A_436, %mul3A_445 : i32
      %dma_start3A_447 = arith.constant 0 : i32
      %dma_start3A_448 = tpu.memref_slice %arg2[%mul3A_446, %dma_start3A_447] : memref<320000x128xf32, #tpu.memory_space<hbm>> -> memref<256x128xf32, #tpu.memory_space<hbm>>
      %dma_start3A_449 = arith.constant 0 : i32
      %dma_start3A_450 = tpu.memref_slice %arg2[%mul3A_446, %dma_start3A_449] : memref<320000x128xf32, #tpu.memory_space<hbm>> -> memref<256x128xf32, #tpu.memory_space<hbm>>
      tpu.enqueue_dma source(%dma_start3A_450 : memref<256x128xf32, #tpu.memory_space<hbm>>) target(%arg8 : memref<256x128xf32, #tpu.memory_space<vmem>>) target_semaphore(%arg11 : memref<!tpu.dma_semaphore, #tpu.memory_space<semaphore_mem>>)
      %get3A_451 = arith.constant 0 : i32
      %get3A_452 = arith.index_cast %get3A_451 : i32 to index
      %get3A_453 = arith.constant 0 : index
      %get3A_454 = tpu.vector_load %arg7[%get3A_452, %get3A_453] {strides = array<i32>} : memref<2x128xi32, #tpu.memory_space<vmem>>, vector<1x16xi32>,
      %get3A_455 = vector.shape_cast %get3A_454 : vector<1x16xi32> to vector<16xi32>
      %sub3A_456 = vector.broadcast %mul3A_4 : i32 to vector<16xi32>
      %sub3A_457 = arith.subi %get3A_455, %sub3A_456 : vector<16xi32>
      %ge3A_458 = arith.constant 0 : i32
      %ge3A_459 = vector.broadcast %ge3A_458 : i32 to vector<16xi32>
      %ge3A_460 = arith.cmpi sge, %sub3A_457, %ge3A_459 : vector<16xi32>
      %lt3A_461 = arith.constant 5000 : i32
      %lt3A_462 = vector.broadcast %lt3A_461 : i32 to vector<16xi32>
      %lt3A_463 = arith.cmpi slt, %sub3A_457, %lt3A_462 : vector<16xi32>
      %and3A_464 = arith.andi %ge3A_460, %lt3A_463 : vector<16xi1>
      %select_n3A_465 = arith.select %and3A_464, %sub3A_457, %add3A_8 : vector<16xi1>, vector<16xi32>
      %swap3A_466 = arith.constant 0 : i32
      %swap3A_467 = arith.index_cast %swap3A_466 : i32 to index
      %swap3A_468 = arith.constant 0 : index
      %swap3A_469 = tpu.vector_load %arg7[%swap3A_467, %swap3A_468] {strides = array<i32>} : memref<2x128xi32, #tpu.memory_space<vmem>>, vector<1x16xi32>,
      %swap3A_470 = vector.shape_cast %swap3A_469 : vector<1x16xi32> to vector<16xi32>
      %swap3A_471 = vector.shape_cast %select_n3A_465 : vector<16xi32> to vector<1x16xi32>
      tpu.vector_store %arg7[%swap3A_467, %swap3A_468], %swap3A_471 {strides = array<i32>} : memref<2x128xi32, #tpu.memory_space<vmem>>, vector<1x16xi32>,
      %get3A_472 = arith.constant 0 : i32
      %get3A_473 = arith.index_cast %get3A_472 : i32 to index
      %get3A_474 = arith.constant 16 : index
      %get3A_475 = tpu.vector_load %arg7[%get3A_473, %get3A_474] {strides = array<i32>} : memref<2x128xi32, #tpu.memory_space<vmem>>, vector<1x16xi32>,
      %get3A_476 = vector.shape_cast %get3A_475 : vector<1x16xi32> to vector<16xi32>
      %sub3A_477 = vector.broadcast %mul3A_4 : i32 to vector<16xi32>
      %sub3A_478 = arith.subi %get3A_476, %sub3A_477 : vector<16xi32>
      %ge3A_479 = arith.constant 0 : i32
      %ge3A_480 = vector.broadcast %ge3A_479 : i32 to vector<16xi32>
      %ge3A_481 = arith.cmpi sge, %sub3A_478, %ge3A_480 : vector<16xi32>
      %lt3A_482 = arith.constant 5000 : i32
      %lt3A_483 = vector.broadcast %lt3A_482 : i32 to vector<16xi32>
      %lt3A_484 = arith.cmpi slt, %sub3A_478, %lt3A_483 : vector<16xi32>
      %and3A_485 = arith.andi %ge3A_481, %lt3A_484 : vector<16xi1>
      %select_n3A_486 = arith.select %and3A_485, %sub3A_478, %add3A_8 : vector<16xi1>, vector<16xi32>
      %swap3A_487 = arith.constant 0 : i32
      %swap3A_488 = arith.index_cast %swap3A_487 : i32 to index
      %swap3A_489 = arith.constant 16 : index
      %swap3A_490 = tpu.vector_load %arg7[%swap3A_488, %swap3A_489] {strides = array<i32>} : memref<2x128xi32, #tpu.memory_space<vmem>>, vector<1x16xi32>,
      %swap3A_491 = vector.shape_cast %swap3A_490 : vector<1x16xi32> to vector<16xi32>
      %swap3A_492 = vector.shape_cast %select_n3A_486 : vector<16xi32> to vector<1x16xi32>
      tpu.vector_store %arg7[%swap3A_488, %swap3A_489], %swap3A_492 {strides = array<i32>} : memref<2x128xi32, #tpu.memory_space<vmem>>, vector<1x16xi32>,
      %get3A_493 = arith.constant 0 : i32
      %get3A_494 = arith.index_cast %get3A_493 : i32 to index
      %get3A_495 = arith.constant 32 : index
      %get3A_496 = tpu.vector_load %arg7[%get3A_494, %get3A_495] {strides = array<i32>} : memref<2x128xi32, #tpu.memory_space<vmem>>, vector<1x16xi32>,
      %get3A_497 = vector.shape_cast %get3A_496 : vector<1x16xi32> to vector<16xi32>
      %sub3A_498 = vector.broadcast %mul3A_4 : i32 to vector<16xi32>
      %sub3A_499 = arith.subi %get3A_497, %sub3A_498 : vector<16xi32>
      %ge3A_500 = arith.constant 0 : i32
      %ge3A_501 = vector.broadcast %ge3A_500 : i32 to vector<16xi32>
      %ge3A_502 = arith.cmpi sge, %sub3A_499, %ge3A_501 : vector<16xi32>
      %lt3A_503 = arith.constant 5000 : i32
      %lt3A_504 = vector.broadcast %lt3A_503 : i32 to vector<16xi32>
      %lt3A_505 = arith.cmpi slt, %sub3A_499, %lt3A_504 : vector<16xi32>
      %and3A_506 = arith.andi %ge3A_502, %lt3A_505 : vector<16xi1>
      %select_n3A_507 = arith.select %and3A_506, %sub3A_499, %add3A_8 : vector<16xi1>, vector<16xi32>
      %swap3A_508 = arith.constant 0 : i32
      %swap3A_509 = arith.index_cast %swap3A_508 : i32 to index
      %swap3A_510 = arith.constant 32 : index
      %swap3A_511 = tpu.vector_load %arg7[%swap3A_509, %swap3A_510] {strides = array<i32>} : memref<2x128xi32, #tpu.memory_space<vmem>>, vector<1x16xi32>,
      %swap3A_512 = vector.shape_cast %swap3A_511 : vector<1x16xi32> to vector<16xi32>
      %swap3A_513 = vector.shape_cast %select_n3A_507 : vector<16xi32> to vector<1x16xi32>
      tpu.vector_store %arg7[%swap3A_509, %swap3A_510], %swap3A_513 {strides = array<i32>} : memref<2x128xi32, #tpu.memory_space<vmem>>, vector<1x16xi32>,
      %get3A_514 = arith.constant 0 : i32
      %get3A_515 = arith.index_cast %get3A_514 : i32 to index
      %get3A_516 = arith.constant 48 : index
      %get3A_517 = tpu.vector_load %arg7[%get3A_515, %get3A_516] {strides = array<i32>} : memref<2x128xi32, #tpu.memory_space<vmem>>, vector<1x16xi32>,
      %get3A_518 = vector.shape_cast %get3A_517 : vector<1x16xi32> to vector<16xi32>
      %sub3A_519 = vector.broadcast %mul3A_4 : i32 to vector<16xi32>
      %sub3A_520 = arith.subi %get3A_518, %sub3A_519 : vector<16xi32>
      %ge3A_521 = arith.constant 0 : i32
      %ge3A_522 = vector.broadcast %ge3A_521 : i32 to vector<16xi32>
      %ge3A_523 = arith.cmpi sge, %sub3A_520, %ge3A_522 : vector<16xi32>
      %lt3A_524 = arith.constant 5000 : i32
      %lt3A_525 = vector.broadcast %lt3A_524 : i32 to vector<16xi32>
      %lt3A_526 = arith.cmpi slt, %sub3A_520, %lt3A_525 : vector<16xi32>
      %and3A_527 = arith.andi %ge3A_523, %lt3A_526 : vector<16xi1>
      %select_n3A_528 = arith.select %and3A_527, %sub3A_520, %add3A_8 : vector<16xi1>, vector<16xi32>
      %swap3A_529 = arith.constant 0 : i32
      %swap3A_530 = arith.index_cast %swap3A_529 : i32 to index
      %swap3A_531 = arith.constant 48 : index
      %swap3A_532 = tpu.vector_load %arg7[%swap3A_530, %swap3A_531] {strides = array<i32>} : memref<2x128xi32, #tpu.memory_space<vmem>>, vector<1x16xi32>,
      %swap3A_533 = vector.shape_cast %swap3A_532 : vector<1x16xi32> to vector<16xi32>
      %swap3A_534 = vector.shape_cast %select_n3A_528 : vector<16xi32> to vector<1x16xi32>
      tpu.vector_store %arg7[%swap3A_530, %swap3A_531], %swap3A_534 {strides = array<i32>} : memref<2x128xi32, #tpu.memory_space<vmem>>, vector<1x16xi32>,
      %get3A_535 = arith.constant 0 : i32
      %get3A_536 = arith.index_cast %get3A_535 : i32 to index
      %get3A_537 = arith.constant 64 : index
      %get3A_538 = tpu.vector_load %arg7[%get3A_536, %get3A_537] {strides = array<i32>} : memref<2x128xi32, #tpu.memory_space<vmem>>, vector<1x16xi32>,
      %get3A_539 = vector.shape_cast %get3A_538 : vector<1x16xi32> to vector<16xi32>
      %sub3A_540 = vector.broadcast %mul3A_4 : i32 to vector<16xi32>
      %sub3A_541 = arith.subi %get3A_539, %sub3A_540 : vector<16xi32>
      %ge3A_542 = arith.constant 0 : i32
      %ge3A_543 = vector.broadcast %ge3A_542 : i32 to vector<16xi32>
      %ge3A_544 = arith.cmpi sge, %sub3A_541, %ge3A_543 : vector<16xi32>
      %lt3A_545 = arith.constant 5000 : i32
      %lt3A_546 = vector.broadcast %lt3A_545 : i32 to vector<16xi32>
      %lt3A_547 = arith.cmpi slt, %sub3A_541, %lt3A_546 : vector<16xi32>
      %and3A_548 = arith.andi %ge3A_544, %lt3A_547 : vector<16xi1>
      %select_n3A_549 = arith.select %and3A_548, %sub3A_541, %add3A_8 : vector<16xi1>, vector<16xi32>
      %swap3A_550 = arith.constant 0 : i32
      %swap3A_551 = arith.index_cast %swap3A_550 : i32 to index
      %swap3A_552 = arith.constant 64 : index
      %swap3A_553 = tpu.vector_load %arg7[%swap3A_551, %swap3A_552] {strides = array<i32>} : memref<2x128xi32, #tpu.memory_space<vmem>>, vector<1x16xi32>,
      %swap3A_554 = vector.shape_cast %swap3A_553 : vector<1x16xi32> to vector<16xi32>
      %swap3A_555 = vector.shape_cast %select_n3A_549 : vector<16xi32> to vector<1x16xi32>
      tpu.vector_store %arg7[%swap3A_551, %swap3A_552], %swap3A_555 {strides = array<i32>} : memref<2x128xi32, #tpu.memory_space<vmem>>, vector<1x16xi32>,
      %get3A_556 = arith.constant 0 : i32
      %get3A_557 = arith.index_cast %get3A_556 : i32 to index
      %get3A_558 = arith.constant 80 : index
      %get3A_559 = tpu.vector_load %arg7[%get3A_557, %get3A_558] {strides = array<i32>} : memref<2x128xi32, #tpu.memory_space<vmem>>, vector<1x16xi32>,
      %get3A_560 = vector.shape_cast %get3A_559 : vector<1x16xi32> to vector<16xi32>
      %sub3A_561 = vector.broadcast %mul3A_4 : i32 to vector<16xi32>
      %sub3A_562 = arith.subi %get3A_560, %sub3A_561 : vector<16xi32>
      %ge3A_563 = arith.constant 0 : i32
      %ge3A_564 = vector.broadcast %ge3A_563 : i32 to vector<16xi32>
      %ge3A_565 = arith.cmpi sge, %sub3A_562, %ge3A_564 : vector<16xi32>
      %lt3A_566 = arith.constant 5000 : i32
      %lt3A_567 = vector.broadcast %lt3A_566 : i32 to vector<16xi32>
      %lt3A_568 = arith.cmpi slt, %sub3A_562, %lt3A_567 : vector<16xi32>
      %and3A_569 = arith.andi %ge3A_565, %lt3A_568 : vector<16xi1>
      %select_n3A_570 = arith.select %and3A_569, %sub3A_562, %add3A_8 : vector<16xi1>, vector<16xi32>
      %swap3A_571 = arith.constant 0 : i32
      %swap3A_572 = arith.index_cast %swap3A_571 : i32 to index
      %swap3A_573 = arith.constant 80 : index
      %swap3A_574 = tpu.vector_load %arg7[%swap3A_572, %swap3A_573] {strides = array<i32>} : memref<2x128xi32, #tpu.memory_space<vmem>>, vector<1x16xi32>,
      %swap3A_575 = vector.shape_cast %swap3A_574 : vector<1x16xi32> to vector<16xi32>
      %swap3A_576 = vector.shape_cast %select_n3A_570 : vector<16xi32> to vector<1x16xi32>
      tpu.vector_store %arg7[%swap3A_572, %swap3A_573], %swap3A_576 {strides = array<i32>} : memref<2x128xi32, #tpu.memory_space<vmem>>, vector<1x16xi32>,
      %get3A_577 = arith.constant 0 : i32
      %get3A_578 = arith.index_cast %get3A_577 : i32 to index
      %get3A_579 = arith.constant 96 : index
      %get3A_580 = tpu.vector_load %arg7[%get3A_578, %get3A_579] {strides = array<i32>} : memref<2x128xi32, #tpu.memory_space<vmem>>, vector<1x16xi32>,
      %get3A_581 = vector.shape_cast %get3A_580 : vector<1x16xi32> to vector<16xi32>
      %sub3A_582 = vector.broadcast %mul3A_4 : i32 to vector<16xi32>
      %sub3A_583 = arith.subi %get3A_581, %sub3A_582 : vector<16xi32>
      %ge3A_584 = arith.constant 0 : i32
      %ge3A_585 = vector.broadcast %ge3A_584 : i32 to vector<16xi32>
      %ge3A_586 = arith.cmpi sge, %sub3A_583, %ge3A_585 : vector<16xi32>
      %lt3A_587 = arith.constant 5000 : i32
      %lt3A_588 = vector.broadcast %lt3A_587 : i32 to vector<16xi32>
      %lt3A_589 = arith.cmpi slt, %sub3A_583, %lt3A_588 : vector<16xi32>
      %and3A_590 = arith.andi %ge3A_586, %lt3A_589 : vector<16xi1>
      %select_n3A_591 = arith.select %and3A_590, %sub3A_583, %add3A_8 : vector<16xi1>, vector<16xi32>
      %swap3A_592 = arith.constant 0 : i32
      %swap3A_593 = arith.index_cast %swap3A_592 : i32 to index
      %swap3A_594 = arith.constant 96 : index
      %swap3A_595 = tpu.vector_load %arg7[%swap3A_593, %swap3A_594] {strides = array<i32>} : memref<2x128xi32, #tpu.memory_space<vmem>>, vector<1x16xi32>,
      %swap3A_596 = vector.shape_cast %swap3A_595 : vector<1x16xi32> to vector<16xi32>
      %swap3A_597 = vector.shape_cast %select_n3A_591 : vector<16xi32> to vector<1x16xi32>
      tpu.vector_store %arg7[%swap3A_593, %swap3A_594], %swap3A_597 {strides = array<i32>} : memref<2x128xi32, #tpu.memory_space<vmem>>, vector<1x16xi32>,
      %get3A_598 = arith.constant 0 : i32
      %get3A_599 = arith.index_cast %get3A_598 : i32 to index
      %get3A_600 = arith.constant 112 : index
      %get3A_601 = tpu.vector_load %arg7[%get3A_599, %get3A_600] {strides = array<i32>} : memref<2x128xi32, #tpu.memory_space<vmem>>, vector<1x16xi32>,
      %get3A_602 = vector.shape_cast %get3A_601 : vector<1x16xi32> to vector<16xi32>
      %sub3A_603 = vector.broadcast %mul3A_4 : i32 to vector<16xi32>
      %sub3A_604 = arith.subi %get3A_602, %sub3A_603 : vector<16xi32>
      %ge3A_605 = arith.constant 0 : i32
      %ge3A_606 = vector.broadcast %ge3A_605 : i32 to vector<16xi32>
      %ge3A_607 = arith.cmpi sge, %sub3A_604, %ge3A_606 : vector<16xi32>
      %lt3A_608 = arith.constant 5000 : i32
      %lt3A_609 = vector.broadcast %lt3A_608 : i32 to vector<16xi32>
      %lt3A_610 = arith.cmpi slt, %sub3A_604, %lt3A_609 : vector<16xi32>
      %and3A_611 = arith.andi %ge3A_607, %lt3A_610 : vector<16xi1>
      %select_n3A_612 = arith.select %and3A_611, %sub3A_604, %add3A_8 : vector<16xi1>, vector<16xi32>
      %swap3A_613 = arith.constant 0 : i32
      %swap3A_614 = arith.index_cast %swap3A_613 : i32 to index
      %swap3A_615 = arith.constant 112 : index
      %swap3A_616 = tpu.vector_load %arg7[%swap3A_614, %swap3A_615] {strides = array<i32>} : memref<2x128xi32, #tpu.memory_space<vmem>>, vector<1x16xi32>,
      %swap3A_617 = vector.shape_cast %swap3A_616 : vector<1x16xi32> to vector<16xi32>
      %swap3A_618 = vector.shape_cast %select_n3A_612 : vector<16xi32> to vector<1x16xi32>
      tpu.vector_store %arg7[%swap3A_614, %swap3A_615], %swap3A_618 {strides = array<i32>} : memref<2x128xi32, #tpu.memory_space<vmem>>, vector<1x16xi32>,
      %get3A_619 = arith.constant 1 : i32
      %get3A_620 = arith.index_cast %get3A_619 : i32 to index
      %get3A_621 = arith.constant 0 : index
      %get3A_622 = tpu.vector_load %arg7[%get3A_620, %get3A_621] {strides = array<i32>} : memref<2x128xi32, #tpu.memory_space<vmem>>, vector<1x16xi32>,
      %get3A_623 = vector.shape_cast %get3A_622 : vector<1x16xi32> to vector<16xi32>
      %sub3A_624 = vector.broadcast %mul3A_4 : i32 to vector<16xi32>
      %sub3A_625 = arith.subi %get3A_623, %sub3A_624 : vector<16xi32>
      %ge3A_626 = arith.constant 0 : i32
      %ge3A_627 = vector.broadcast %ge3A_626 : i32 to vector<16xi32>
      %ge3A_628 = arith.cmpi sge, %sub3A_625, %ge3A_627 : vector<16xi32>
      %lt3A_629 = arith.constant 5000 : i32
      %lt3A_630 = vector.broadcast %lt3A_629 : i32 to vector<16xi32>
      %lt3A_631 = arith.cmpi slt, %sub3A_625, %lt3A_630 : vector<16xi32>
      %and3A_632 = arith.andi %ge3A_628, %lt3A_631 : vector<16xi1>
      %select_n3A_633 = arith.select %and3A_632, %sub3A_625, %add3A_8 : vector<16xi1>, vector<16xi32>
      %swap3A_634 = arith.constant 1 : i32
      %swap3A_635 = arith.index_cast %swap3A_634 : i32 to index
      %swap3A_636 = arith.constant 0 : index
      %swap3A_637 = tpu.vector_load %arg7[%swap3A_635, %swap3A_636] {strides = array<i32>} : memref<2x128xi32, #tpu.memory_space<vmem>>, vector<1x16xi32>,
      %swap3A_638 = vector.shape_cast %swap3A_637 : vector<1x16xi32> to vector<16xi32>
      %swap3A_639 = vector.shape_cast %select_n3A_633 : vector<16xi32> to vector<1x16xi32>
      tpu.vector_store %arg7[%swap3A_635, %swap3A_636], %swap3A_639 {strides = array<i32>} : memref<2x128xi32, #tpu.memory_space<vmem>>, vector<1x16xi32>,
      %get3A_640 = arith.constant 1 : i32
      %get3A_641 = arith.index_cast %get3A_640 : i32 to index
      %get3A_642 = arith.constant 16 : index
      %get3A_643 = tpu.vector_load %arg7[%get3A_641, %get3A_642] {strides = array<i32>} : memref<2x128xi32, #tpu.memory_space<vmem>>, vector<1x16xi32>,
      %get3A_644 = vector.shape_cast %get3A_643 : vector<1x16xi32> to vector<16xi32>
      %sub3A_645 = vector.broadcast %mul3A_4 : i32 to vector<16xi32>
      %sub3A_646 = arith.subi %get3A_644, %sub3A_645 : vector<16xi32>
      %ge3A_647 = arith.constant 0 : i32
      %ge3A_648 = vector.broadcast %ge3A_647 : i32 to vector<16xi32>
      %ge3A_649 = arith.cmpi sge, %sub3A_646, %ge3A_648 : vector<16xi32>
      %lt3A_650 = arith.constant 5000 : i32
      %lt3A_651 = vector.broadcast %lt3A_650 : i32 to vector<16xi32>
      %lt3A_652 = arith.cmpi slt, %sub3A_646, %lt3A_651 : vector<16xi32>
      %and3A_653 = arith.andi %ge3A_649, %lt3A_652 : vector<16xi1>
      %select_n3A_654 = arith.select %and3A_653, %sub3A_646, %add3A_8 : vector<16xi1>, vector<16xi32>
      %swap3A_655 = arith.constant 1 : i32
      %swap3A_656 = arith.index_cast %swap3A_655 : i32 to index
      %swap3A_657 = arith.constant 16 : index
      %swap3A_658 = tpu.vector_load %arg7[%swap3A_656, %swap3A_657] {strides = array<i32>} : memref<2x128xi32, #tpu.memory_space<vmem>>, vector<1x16xi32>,
      %swap3A_659 = vector.shape_cast %swap3A_658 : vector<1x16xi32> to vector<16xi32>
      %swap3A_660 = vector.shape_cast %select_n3A_654 : vector<16xi32> to vector<1x16xi32>
      tpu.vector_store %arg7[%swap3A_656, %swap3A_657], %swap3A_660 {strides = array<i32>} : memref<2x128xi32, #tpu.memory_space<vmem>>, vector<1x16xi32>,
      %get3A_661 = arith.constant 1 : i32
      %get3A_662 = arith.index_cast %get3A_661 : i32 to index
      %get3A_663 = arith.constant 32 : index
      %get3A_664 = tpu.vector_load %arg7[%get3A_662, %get3A_663] {strides = array<i32>} : memref<2x128xi32, #tpu.memory_space<vmem>>, vector<1x16xi32>,
      %get3A_665 = vector.shape_cast %get3A_664 : vector<1x16xi32> to vector<16xi32>
      %sub3A_666 = vector.broadcast %mul3A_4 : i32 to vector<16xi32>
      %sub3A_667 = arith.subi %get3A_665, %sub3A_666 : vector<16xi32>
      %ge3A_668 = arith.constant 0 : i32
      %ge3A_669 = vector.broadcast %ge3A_668 : i32 to vector<16xi32>
      %ge3A_670 = arith.cmpi sge, %sub3A_667, %ge3A_669 : vector<16xi32>
      %lt3A_671 = arith.constant 5000 : i32
      %lt3A_672 = vector.broadcast %lt3A_671 : i32 to vector<16xi32>
      %lt3A_673 = arith.cmpi slt, %sub3A_667, %lt3A_672 : vector<16xi32>
      %and3A_674 = arith.andi %ge3A_670, %lt3A_673 : vector<16xi1>
      %select_n3A_675 = arith.select %and3A_674, %sub3A_667, %add3A_8 : vector<16xi1>, vector<16xi32>
      %swap3A_676 = arith.constant 1 : i32
      %swap3A_677 = arith.index_cast %swap3A_676 : i32 to index
      %swap3A_678 = arith.constant 32 : index
      %swap3A_679 = tpu.vector_load %arg7[%swap3A_677, %swap3A_678] {strides = array<i32>} : memref<2x128xi32, #tpu.memory_space<vmem>>, vector<1x16xi32>,
      %swap3A_680 = vector.shape_cast %swap3A_679 : vector<1x16xi32> to vector<16xi32>
      %swap3A_681 = vector.shape_cast %select_n3A_675 : vector<16xi32> to vector<1x16xi32>
      tpu.vector_store %arg7[%swap3A_677, %swap3A_678], %swap3A_681 {strides = array<i32>} : memref<2x128xi32, #tpu.memory_space<vmem>>, vector<1x16xi32>,
      %get3A_682 = arith.constant 1 : i32
      %get3A_683 = arith.index_cast %get3A_682 : i32 to index
      %get3A_684 = arith.constant 48 : index
      %get3A_685 = tpu.vector_load %arg7[%get3A_683, %get3A_684] {strides = array<i32>} : memref<2x128xi32, #tpu.memory_space<vmem>>, vector<1x16xi32>,
      %get3A_686 = vector.shape_cast %get3A_685 : vector<1x16xi32> to vector<16xi32>
      %sub3A_687 = vector.broadcast %mul3A_4 : i32 to vector<16xi32>
      %sub3A_688 = arith.subi %get3A_686, %sub3A_687 : vector<16xi32>
      %ge3A_689 = arith.constant 0 : i32
      %ge3A_690 = vector.broadcast %ge3A_689 : i32 to vector<16xi32>
      %ge3A_691 = arith.cmpi sge, %sub3A_688, %ge3A_690 : vector<16xi32>
      %lt3A_692 = arith.constant 5000 : i32
      %lt3A_693 = vector.broadcast %lt3A_692 : i32 to vector<16xi32>
      %lt3A_694 = arith.cmpi slt, %sub3A_688, %lt3A_693 : vector<16xi32>
      %and3A_695 = arith.andi %ge3A_691, %lt3A_694 : vector<16xi1>
      %select_n3A_696 = arith.select %and3A_695, %sub3A_688, %add3A_8 : vector<16xi1>, vector<16xi32>
      %swap3A_697 = arith.constant 1 : i32
      %swap3A_698 = arith.index_cast %swap3A_697 : i32 to index
      %swap3A_699 = arith.constant 48 : index
      %swap3A_700 = tpu.vector_load %arg7[%swap3A_698, %swap3A_699] {strides = array<i32>} : memref<2x128xi32, #tpu.memory_space<vmem>>, vector<1x16xi32>,
      %swap3A_701 = vector.shape_cast %swap3A_700 : vector<1x16xi32> to vector<16xi32>
      %swap3A_702 = vector.shape_cast %select_n3A_696 : vector<16xi32> to vector<1x16xi32>
      tpu.vector_store %arg7[%swap3A_698, %swap3A_699], %swap3A_702 {strides = array<i32>} : memref<2x128xi32, #tpu.memory_space<vmem>>, vector<1x16xi32>,
      %get3A_703 = arith.constant 1 : i32
      %get3A_704 = arith.index_cast %get3A_703 : i32 to index
      %get3A_705 = arith.constant 64 : index
      %get3A_706 = tpu.vector_load %arg7[%get3A_704, %get3A_705] {strides = array<i32>} : memref<2x128xi32, #tpu.memory_space<vmem>>, vector<1x16xi32>,
      %get3A_707 = vector.shape_cast %get3A_706 : vector<1x16xi32> to vector<16xi32>
      %sub3A_708 = vector.broadcast %mul3A_4 : i32 to vector<16xi32>
      %sub3A_709 = arith.subi %get3A_707, %sub3A_708 : vector<16xi32>
      %ge3A_710 = arith.constant 0 : i32
      %ge3A_711 = vector.broadcast %ge3A_710 : i32 to vector<16xi32>
      %ge3A_712 = arith.cmpi sge, %sub3A_709, %ge3A_711 : vector<16xi32>
      %lt3A_713 = arith.constant 5000 : i32
      %lt3A_714 = vector.broadcast %lt3A_713 : i32 to vector<16xi32>
      %lt3A_715 = arith.cmpi slt, %sub3A_709, %lt3A_714 : vector<16xi32>
      %and3A_716 = arith.andi %ge3A_712, %lt3A_715 : vector<16xi1>
      %select_n3A_717 = arith.select %and3A_716, %sub3A_709, %add3A_8 : vector<16xi1>, vector<16xi32>
      %swap3A_718 = arith.constant 1 : i32
      %swap3A_719 = arith.index_cast %swap3A_718 : i32 to index
      %swap3A_720 = arith.constant 64 : index
      %swap3A_721 = tpu.vector_load %arg7[%swap3A_719, %swap3A_720] {strides = array<i32>} : memref<2x128xi32, #tpu.memory_space<vmem>>, vector<1x16xi32>,
      %swap3A_722 = vector.shape_cast %swap3A_721 : vector<1x16xi32> to vector<16xi32>
      %swap3A_723 = vector.shape_cast %select_n3A_717 : vector<16xi32> to vector<1x16xi32>
      tpu.vector_store %arg7[%swap3A_719, %swap3A_720], %swap3A_723 {strides = array<i32>} : memref<2x128xi32, #tpu.memory_space<vmem>>, vector<1x16xi32>,
      %get3A_724 = arith.constant 1 : i32
      %get3A_725 = arith.index_cast %get3A_724 : i32 to index
      %get3A_726 = arith.constant 80 : index
      %get3A_727 = tpu.vector_load %arg7[%get3A_725, %get3A_726] {strides = array<i32>} : memref<2x128xi32, #tpu.memory_space<vmem>>, vector<1x16xi32>,
      %get3A_728 = vector.shape_cast %get3A_727 : vector<1x16xi32> to vector<16xi32>
      %sub3A_729 = vector.broadcast %mul3A_4 : i32 to vector<16xi32>
      %sub3A_730 = arith.subi %get3A_728, %sub3A_729 : vector<16xi32>
      %ge3A_731 = arith.constant 0 : i32
      %ge3A_732 = vector.broadcast %ge3A_731 : i32 to vector<16xi32>
      %ge3A_733 = arith.cmpi sge, %sub3A_730, %ge3A_732 : vector<16xi32>
      %lt3A_734 = arith.constant 5000 : i32
      %lt3A_735 = vector.broadcast %lt3A_734 : i32 to vector<16xi32>
      %lt3A_736 = arith.cmpi slt, %sub3A_730, %lt3A_735 : vector<16xi32>
      %and3A_737 = arith.andi %ge3A_733, %lt3A_736 : vector<16xi1>
      %select_n3A_738 = arith.select %and3A_737, %sub3A_730, %add3A_8 : vector<16xi1>, vector<16xi32>
      %swap3A_739 = arith.constant 1 : i32
      %swap3A_740 = arith.index_cast %swap3A_739 : i32 to index
      %swap3A_741 = arith.constant 80 : index
      %swap3A_742 = tpu.vector_load %arg7[%swap3A_740, %swap3A_741] {strides = array<i32>} : memref<2x128xi32, #tpu.memory_space<vmem>>, vector<1x16xi32>,
      %swap3A_743 = vector.shape_cast %swap3A_742 : vector<1x16xi32> to vector<16xi32>
      %swap3A_744 = vector.shape_cast %select_n3A_738 : vector<16xi32> to vector<1x16xi32>
      tpu.vector_store %arg7[%swap3A_740, %swap3A_741], %swap3A_744 {strides = array<i32>} : memref<2x128xi32, #tpu.memory_space<vmem>>, vector<1x16xi32>,
      %get3A_745 = arith.constant 1 : i32
      %get3A_746 = arith.index_cast %get3A_745 : i32 to index
      %get3A_747 = arith.constant 96 : index
      %get3A_748 = tpu.vector_load %arg7[%get3A_746, %get3A_747] {strides = array<i32>} : memref<2x128xi32, #tpu.memory_space<vmem>>, vector<1x16xi32>,
      %get3A_749 = vector.shape_cast %get3A_748 : vector<1x16xi32> to vector<16xi32>
      %sub3A_750 = vector.broadcast %mul3A_4 : i32 to vector<16xi32>
      %sub3A_751 = arith.subi %get3A_749, %sub3A_750 : vector<16xi32>
      %ge3A_752 = arith.constant 0 : i32
      %ge3A_753 = vector.broadcast %ge3A_752 : i32 to vector<16xi32>
      %ge3A_754 = arith.cmpi sge, %sub3A_751, %ge3A_753 : vector<16xi32>
      %lt3A_755 = arith.constant 5000 : i32
      %lt3A_756 = vector.broadcast %lt3A_755 : i32 to vector<16xi32>
      %lt3A_757 = arith.cmpi slt, %sub3A_751, %lt3A_756 : vector<16xi32>
      %and3A_758 = arith.andi %ge3A_754, %lt3A_757 : vector<16xi1>
      %select_n3A_759 = arith.select %and3A_758, %sub3A_751, %add3A_8 : vector<16xi1>, vector<16xi32>
      %swap3A_760 = arith.constant 1 : i32
      %swap3A_761 = arith.index_cast %swap3A_760 : i32 to index
      %swap3A_762 = arith.constant 96 : index
      %swap3A_763 = tpu.vector_load %arg7[%swap3A_761, %swap3A_762] {strides = array<i32>} : memref<2x128xi32, #tpu.memory_space<vmem>>, vector<1x16xi32>,
      %swap3A_764 = vector.shape_cast %swap3A_763 : vector<1x16xi32> to vector<16xi32>
      %swap3A_765 = vector.shape_cast %select_n3A_759 : vector<16xi32> to vector<1x16xi32>
      tpu.vector_store %arg7[%swap3A_761, %swap3A_762], %swap3A_765 {strides = array<i32>} : memref<2x128xi32, #tpu.memory_space<vmem>>, vector<1x16xi32>,
      %get3A_766 = arith.constant 1 : i32
      %get3A_767 = arith.index_cast %get3A_766 : i32 to index
      %get3A_768 = arith.constant 112 : index
      %get3A_769 = tpu.vector_load %arg7[%get3A_767, %get3A_768] {strides = array<i32>} : memref<2x128xi32, #tpu.memory_space<vmem>>, vector<1x16xi32>,
      %get3A_770 = vector.shape_cast %get3A_769 : vector<1x16xi32> to vector<16xi32>
      %sub3A_771 = vector.broadcast %mul3A_4 : i32 to vector<16xi32>
      %sub3A_772 = arith.subi %get3A_770, %sub3A_771 : vector<16xi32>
      %ge3A_773 = arith.constant 0 : i32
      %ge3A_774 = vector.broadcast %ge3A_773 : i32 to vector<16xi32>
      %ge3A_775 = arith.cmpi sge, %sub3A_772, %ge3A_774 : vector<16xi32>
      %lt3A_776 = arith.constant 5000 : i32
      %lt3A_777 = vector.broadcast %lt3A_776 : i32 to vector<16xi32>
      %lt3A_778 = arith.cmpi slt, %sub3A_772, %lt3A_777 : vector<16xi32>
      %and3A_779 = arith.andi %ge3A_775, %lt3A_778 : vector<16xi1>
      %select_n3A_780 = arith.select %and3A_779, %sub3A_772, %add3A_8 : vector<16xi1>, vector<16xi32>
      %swap3A_781 = arith.constant 1 : i32
      %swap3A_782 = arith.index_cast %swap3A_781 : i32 to index
      %swap3A_783 = arith.constant 112 : index
      %swap3A_784 = tpu.vector_load %arg7[%swap3A_782, %swap3A_783] {strides = array<i32>} : memref<2x128xi32, #tpu.memory_space<vmem>>, vector<1x16xi32>,
      %swap3A_785 = vector.shape_cast %swap3A_784 : vector<1x16xi32> to vector<16xi32>
      %swap3A_786 = vector.shape_cast %select_n3A_780 : vector<16xi32> to vector<1x16xi32>
      tpu.vector_store %arg7[%swap3A_782, %swap3A_783], %swap3A_786 {strides = array<i32>} : memref<2x128xi32, #tpu.memory_space<vmem>>, vector<1x16xi32>,
      %run_scoped3A_787 = arith.constant 0 : i32
      "tpu.region"() ({
        %run_scoped3A_789 = tpu.sem_alloc : memref<!tpu.dma_semaphore, #tpu.memory_space<semaphore_mem>>
        %dma_start3A_790 = arith.constant 0 : i32
        %dma_start3A_791 = arith.constant 0 : i32
        %dma_start3A_792 = tpu.memref_slice %arg9[%dma_start3A_790, %dma_start3A_791] : memref<256x128xf32, #tpu.memory_space<vmem>> -> memref<128x128xf32, #tpu.memory_space<vmem>>
        %dma_start3A_793 = arith.constant 0 : i32
        %dma_start3A_794 = tpu.memref_slice %arg7[%run_scoped3A_787, %dma_start3A_793] : memref<2x128xi32, #tpu.memory_space<vmem>> -> memref<1x128xi32, #tpu.memory_space<vmem>>
        %dma_start3A_795 = tpu.memref_squeeze %dma_start3A_794 : memref<1x128xi32, #tpu.memory_space<vmem>> -> memref<128xi32, #tpu.memory_space<vmem>>
        %dma_start3A_796 = arith.constant 0 : i32
        %dma_start3A_797 = arith.constant 0 : i32
        %dma_start3A_798 = tpu.memref_slice %arg10[%dma_start3A_796, %dma_start3A_797] : memref<5008x128xf32, #tpu.memory_space<vmem_shared>> -> memref<5008x128xf32, #tpu.memory_space<vmem_shared>>
        tpu.enqueue_indirect_dma source(%dma_start3A_792 : memref<128x128xf32, #tpu.memory_space<vmem>>) target(%dma_start3A_798 : memref<5008x128xf32, #tpu.memory_space<vmem_shared>>) offsets(%dma_start3A_795 : memref<128xi32, #tpu.memory_space<vmem>>) semaphore(%run_scoped3A_789 : memref<!tpu.dma_semaphore, #tpu.memory_space<semaphore_mem>>) {add = true}
        %dma_wait3A_799 = arith.constant 0 : i32
        %dma_wait3A_800 = arith.constant 0 : i32
        %dma_wait3A_801 = tpu.memref_slice %arg9[%dma_wait3A_799, %dma_wait3A_800] : memref<256x128xf32, #tpu.memory_space<vmem>> -> memref<128x128xf32, #tpu.memory_space<vmem>>
        %dma_wait3A_802 = arith.constant 0 : i32
        %dma_wait3A_803 = tpu.memref_slice %arg7[%run_scoped3A_787, %dma_wait3A_802] : memref<2x128xi32, #tpu.memory_space<vmem>> -> memref<1x128xi32, #tpu.memory_space<vmem>>
        %dma_wait3A_804 = tpu.memref_squeeze %dma_wait3A_803 : memref<1x128xi32, #tpu.memory_space<vmem>> -> memref<128xi32, #tpu.memory_space<vmem>>
        %dma_wait3A_805 = arith.constant 0 : i32
        %dma_wait3A_806 = arith.constant 0 : i32
        %dma_wait3A_807 = tpu.memref_slice %arg10[%dma_wait3A_805, %dma_wait3A_806] : memref<5008x128xf32, #tpu.memory_space<vmem_shared>> -> memref<5008x128xf32, #tpu.memory_space<vmem_shared>>
        tpu.wait_indirect_dma semaphore(%run_scoped3A_789 : memref<!tpu.dma_semaphore, #tpu.memory_space<semaphore_mem>>) src(%dma_wait3A_801 : memref<128x128xf32, #tpu.memory_space<vmem>>) dst(%dma_wait3A_807 : memref<5008x128xf32, #tpu.memory_space<vmem_shared>>)
        tpu.yield
      }) : () -> ()
      %run_scoped3A_788 = arith.constant 1 : i32
      "tpu.region"() ({
        %run_scoped3A_789 = tpu.sem_alloc : memref<!tpu.dma_semaphore, #tpu.memory_space<semaphore_mem>>
        %dma_start3A_790 = arith.constant 128 : i32
        %dma_start3A_791 = arith.constant 0 : i32
        %dma_start3A_792 = tpu.memref_slice %arg9[%dma_start3A_790, %dma_start3A_791] : memref<256x128xf32, #tpu.memory_space<vmem>> -> memref<128x128xf32, #tpu.memory_space<vmem>>
        %dma_start3A_793 = arith.constant 0 : i32
        %dma_start3A_794 = tpu.memref_slice %arg7[%run_scoped3A_788, %dma_start3A_793] : memref<2x128xi32, #tpu.memory_space<vmem>> -> memref<1x128xi32, #tpu.memory_space<vmem>>
        %dma_start3A_795 = tpu.memref_squeeze %dma_start3A_794 : memref<1x128xi32, #tpu.memory_space<vmem>> -> memref<128xi32, #tpu.memory_space<vmem>>
        %dma_start3A_796 = arith.constant 0 : i32
        %dma_start3A_797 = arith.constant 0 : i32
        %dma_start3A_798 = tpu.memref_slice %arg10[%dma_start3A_796, %dma_start3A_797] : memref<5008x128xf32, #tpu.memory_space<vmem_shared>> -> memref<5008x128xf32, #tpu.memory_space<vmem_shared>>
        tpu.enqueue_indirect_dma source(%dma_start3A_792 : memref<128x128xf32, #tpu.memory_space<vmem>>) target(%dma_start3A_798 : memref<5008x128xf32, #tpu.memory_space<vmem_shared>>) offsets(%dma_start3A_795 : memref<128xi32, #tpu.memory_space<vmem>>) semaphore(%run_scoped3A_789 : memref<!tpu.dma_semaphore, #tpu.memory_space<semaphore_mem>>) {add = true}
        %dma_wait3A_799 = arith.constant 128 : i32
        %dma_wait3A_800 = arith.constant 0 : i32
        %dma_wait3A_801 = tpu.memref_slice %arg9[%dma_wait3A_799, %dma_wait3A_800] : memref<256x128xf32, #tpu.memory_space<vmem>> -> memref<128x128xf32, #tpu.memory_space<vmem>>
        %dma_wait3A_802 = arith.constant 0 : i32
        %dma_wait3A_803 = tpu.memref_slice %arg7[%run_scoped3A_788, %dma_wait3A_802] : memref<2x128xi32, #tpu.memory_space<vmem>> -> memref<1x128xi32, #tpu.memory_space<vmem>>
        %dma_wait3A_804 = tpu.memref_squeeze %dma_wait3A_803 : memref<1x128xi32, #tpu.memory_space<vmem>> -> memref<128xi32, #tpu.memory_space<vmem>>
        %dma_wait3A_805 = arith.constant 0 : i32
        %dma_wait3A_806 = arith.constant 0 : i32
        %dma_wait3A_807 = tpu.memref_slice %arg10[%dma_wait3A_805, %dma_wait3A_806] : memref<5008x128xf32, #tpu.memory_space<vmem_shared>> -> memref<5008x128xf32, #tpu.memory_space<vmem_shared>>
        tpu.wait_indirect_dma semaphore(%run_scoped3A_789 : memref<!tpu.dma_semaphore, #tpu.memory_space<semaphore_mem>>) src(%dma_wait3A_801 : memref<128x128xf32, #tpu.memory_space<vmem>>) dst(%dma_wait3A_807 : memref<5008x128xf32, #tpu.memory_space<vmem_shared>>)
        tpu.yield
      }) : () -> ()
    }
    %scan3A_28 = arith.constant 39 : i32
    %dma_wait3A = arith.constant 0 : i32
    %dma_wait3A_29 = arith.constant 0 : i32
    %dma_wait3A_30 = arith.constant 0 : i32
    %dma_wait3A_31 = tpu.memref_slice %arg3[%dma_wait3A, %dma_wait3A_29, %dma_wait3A_30] : memref<1250x2x128xi32, #tpu.memory_space<hbm>> -> memref<1x2x128xi32, #tpu.memory_space<hbm>>
    %dma_wait3A_32 = tpu.memref_squeeze %dma_wait3A_31 : memref<1x2x128xi32, #tpu.memory_space<hbm>> -> memref<2x128xi32, #tpu.memory_space<hbm>>
    %dma_wait3A_33 = arith.constant 0 : i32
    %dma_wait3A_34 = arith.constant 0 : i32
    %dma_wait3A_35 = tpu.memref_slice %arg3[%dma_wait3A, %dma_wait3A_33, %dma_wait3A_34] : memref<1250x2x128xi32, #tpu.memory_space<hbm>> -> memref<1x2x128xi32, #tpu.memory_space<hbm>>
    %dma_wait3A_36 = tpu.memref_squeeze %dma_wait3A_35 : memref<1x2x128xi32, #tpu.memory_space<hbm>> -> memref<2x128xi32, #tpu.memory_space<hbm>>
    tpu.wait_dma2 semaphore(%arg11 : memref<!tpu.dma_semaphore, #tpu.memory_space<semaphore_mem>>) src(%dma_wait3A_36 : memref<2x128xi32, #tpu.memory_space<hbm>>) dst(%arg6 : memref<2x128xi32, #tpu.memory_space<vmem>>)
    %dma_wait3A_37 = arith.constant 0 : i32
    %dma_wait3A_38 = arith.constant 0 : i32
    %dma_wait3A_39 = tpu.memref_slice %arg2[%dma_wait3A_37, %dma_wait3A_38] : memref<320000x128xf32, #tpu.memory_space<hbm>> -> memref<256x128xf32, #tpu.memory_space<hbm>>
    %dma_wait3A_40 = arith.constant 0 : i32
    %dma_wait3A_41 = arith.constant 0 : i32
    %dma_wait3A_42 = tpu.memref_slice %arg2[%dma_wait3A_40, %dma_wait3A_41] : memref<320000x128xf32, #tpu.memory_space<hbm>> -> memref<256x128xf32, #tpu.memory_space<hbm>>
    tpu.wait_dma2 semaphore(%arg11 : memref<!tpu.dma_semaphore, #tpu.memory_space<semaphore_mem>>) src(%dma_wait3A_42 : memref<256x128xf32, #tpu.memory_space<hbm>>) dst(%arg8 : memref<256x128xf32, #tpu.memory_space<vmem>>)
    %lt3A = arith.constant 2 : i32
    %lt3A_43 = arith.cmpi slt, %arg1, %lt3A : i32
    %convert_element_type3A_44 = arith.extui %lt3A_43 : i1 to i32
    %cond3A_45 = arith.constant 0 : i32
    %cond3A_46 = arith.cmpi ne, %convert_element_type3A_44, %cond3A_45 : i32
    scf.if %cond3A_46 {
      %add3A_53 = arith.constant 1248 : i32
      %add3A_54 = arith.addi %add3A_53, %arg1 : i32
      "tpu.region"() ({
        %run_scoped3A_389 = tpu.sem_alloc : memref<!tpu.dma_semaphore, #tpu.memory_space<semaphore_mem>>
        %dma_start3A_390 = arith.constant 0 : i32
        %dma_start3A_391 = arith.constant 0 : i32
        %dma_start3A_392 = tpu.memref_slice %arg3[%add3A_54, %dma_start3A_390, %dma_start3A_391] : memref<1250x2x128xi32, #tpu.memory_space<hbm>> -> memref<1x2x128xi32, #tpu.memory_space<hbm>>
        %dma_start3A_393 = tpu.memref_squeeze %dma_start3A_392 : memref<1x2x128xi32, #tpu.memory_space<hbm>> -> memref<2x128xi32, #tpu.memory_space<hbm>>
        %dma_start3A_394 = arith.constant 0 : i32
        %dma_start3A_395 = arith.constant 0 : i32
        %dma_start3A_396 = tpu.memref_slice %arg3[%add3A_54, %dma_start3A_394, %dma_start3A_395] : memref<1250x2x128xi32, #tpu.memory_space<hbm>> -> memref<1x2x128xi32, #tpu.memory_space<hbm>>
        %dma_start3A_397 = tpu.memref_squeeze %dma_start3A_396 : memref<1x2x128xi32, #tpu.memory_space<hbm>> -> memref<2x128xi32, #tpu.memory_space<hbm>>
        tpu.enqueue_dma source(%dma_start3A_397 : memref<2x128xi32, #tpu.memory_space<hbm>>) target(%arg6 : memref<2x128xi32, #tpu.memory_space<vmem>>) target_semaphore(%run_scoped3A_389 : memref<!tpu.dma_semaphore, #tpu.memory_space<semaphore_mem>>)
        %dma_wait3A_398 = arith.constant 0 : i32
        %dma_wait3A_399 = arith.constant 0 : i32
        %dma_wait3A_400 = tpu.memref_slice %arg3[%add3A_54, %dma_wait3A_398, %dma_wait3A_399] : memref<1250x2x128xi32, #tpu.memory_space<hbm>> -> memref<1x2x128xi32, #tpu.memory_space<hbm>>
        %dma_wait3A_401 = tpu.memref_squeeze %dma_wait3A_400 : memref<1x2x128xi32, #tpu.memory_space<hbm>> -> memref<2x128xi32, #tpu.memory_space<hbm>>
        %dma_wait3A_402 = arith.constant 0 : i32
        %dma_wait3A_403 = arith.constant 0 : i32
        %dma_wait3A_404 = tpu.memref_slice %arg3[%add3A_54, %dma_wait3A_402, %dma_wait3A_403] : memref<1250x2x128xi32, #tpu.memory_space<hbm>> -> memref<1x2x128xi32, #tpu.memory_space<hbm>>
        %dma_wait3A_405 = tpu.memref_squeeze %dma_wait3A_404 : memref<1x2x128xi32, #tpu.memory_space<hbm>> -> memref<2x128xi32, #tpu.memory_space<hbm>>
        tpu.wait_dma2 semaphore(%run_scoped3A_389 : memref<!tpu.dma_semaphore, #tpu.memory_space<semaphore_mem>>) src(%dma_wait3A_405 : memref<2x128xi32, #tpu.memory_space<hbm>>) dst(%arg6 : memref<2x128xi32, #tpu.memory_space<vmem>>)
        tpu.yield
      }) : () -> ()
      %mul3A_55 = arith.constant 256 : i32
      %mul3A_56 = arith.muli %add3A_54, %mul3A_55 : i32
      "tpu.region"() ({
        %run_scoped3A_389 = tpu.sem_alloc : memref<!tpu.dma_semaphore, #tpu.memory_space<semaphore_mem>>
        %dma_start3A_390 = arith.constant 0 : i32
        %dma_start3A_391 = tpu.memref_slice %arg2[%mul3A_56, %dma_start3A_390] : memref<320000x128xf32, #tpu.memory_space<hbm>> -> memref<256x128xf32, #tpu.memory_space<hbm>>
        %dma_start3A_392 = arith.constant 0 : i32
        %dma_start3A_393 = tpu.memref_slice %arg2[%mul3A_56, %dma_start3A_392] : memref<320000x128xf32, #tpu.memory_space<hbm>> -> memref<256x128xf32, #tpu.memory_space<hbm>>
        tpu.enqueue_dma source(%dma_start3A_393 : memref<256x128xf32, #tpu.memory_space<hbm>>) target(%arg8 : memref<256x128xf32, #tpu.memory_space<vmem>>) target_semaphore(%run_scoped3A_389 : memref<!tpu.dma_semaphore, #tpu.memory_space<semaphore_mem>>)
        %dma_wait3A_394 = arith.constant 0 : i32
        %dma_wait3A_395 = tpu.memref_slice %arg2[%mul3A_56, %dma_wait3A_394] : memref<320000x128xf32, #tpu.memory_space<hbm>> -> memref<256x128xf32, #tpu.memory_space<hbm>>
        %dma_wait3A_396 = arith.constant 0 : i32
        %dma_wait3A_397 = tpu.memref_slice %arg2[%mul3A_56, %dma_wait3A_396] : memref<320000x128xf32, #tpu.memory_space<hbm>> -> memref<256x128xf32, #tpu.memory_space<hbm>>
        tpu.wait_dma2 semaphore(%run_scoped3A_389 : memref<!tpu.dma_semaphore, #tpu.memory_space<semaphore_mem>>) src(%dma_wait3A_397 : memref<256x128xf32, #tpu.memory_space<hbm>>) dst(%arg8 : memref<256x128xf32, #tpu.memory_space<vmem>>)
        tpu.yield
      }) : () -> ()
      %get3A = arith.constant 0 : i32
      %get3A_57 = arith.index_cast %get3A : i32 to index
      %get3A_58 = arith.constant 0 : index
      %get3A_59 = tpu.vector_load %arg6[%get3A_57, %get3A_58] {strides = array<i32>} : memref<2x128xi32, #tpu.memory_space<vmem>>, vector<1x16xi32>,
      %get3A_60 = vector.shape_cast %get3A_59 : vector<1x16xi32> to vector<16xi32>
      %sub3A = vector.broadcast %mul3A_4 : i32 to vector<16xi32>
      %sub3A_61 = arith.subi %get3A_60, %sub3A : vector<16xi32>
      %ge3A = arith.constant 0 : i32
      %ge3A_62 = vector.broadcast %ge3A : i32 to vector<16xi32>
      %ge3A_63 = arith.cmpi sge, %sub3A_61, %ge3A_62 : vector<16xi32>
      %lt3A_64 = arith.constant 5000 : i32
      %lt3A_65 = vector.broadcast %lt3A_64 : i32 to vector<16xi32>
      %lt3A_66 = arith.cmpi slt, %sub3A_61, %lt3A_65 : vector<16xi32>
      %and3A_67 = arith.andi %ge3A_63, %lt3A_66 : vector<16xi1>
      %select_n3A = arith.select %and3A_67, %sub3A_61, %add3A_8 : vector<16xi1>, vector<16xi32>
      %swap3A = arith.constant 0 : i32
      %swap3A_68 = arith.index_cast %swap3A : i32 to index
      %swap3A_69 = arith.constant 0 : index
      %swap3A_70 = tpu.vector_load %arg6[%swap3A_68, %swap3A_69] {strides = array<i32>} : memref<2x128xi32, #tpu.memory_space<vmem>>, vector<1x16xi32>,
      %swap3A_71 = vector.shape_cast %swap3A_70 : vector<1x16xi32> to vector<16xi32>
      %swap3A_72 = vector.shape_cast %select_n3A : vector<16xi32> to vector<1x16xi32>
      tpu.vector_store %arg6[%swap3A_68, %swap3A_69], %swap3A_72 {strides = array<i32>} : memref<2x128xi32, #tpu.memory_space<vmem>>, vector<1x16xi32>,
      %get3A_73 = arith.constant 0 : i32
      %get3A_74 = arith.index_cast %get3A_73 : i32 to index
      %get3A_75 = arith.constant 16 : index
      %get3A_76 = tpu.vector_load %arg6[%get3A_74, %get3A_75] {strides = array<i32>} : memref<2x128xi32, #tpu.memory_space<vmem>>, vector<1x16xi32>,
      %get3A_77 = vector.shape_cast %get3A_76 : vector<1x16xi32> to vector<16xi32>
      %sub3A_78 = vector.broadcast %mul3A_4 : i32 to vector<16xi32>
      %sub3A_79 = arith.subi %get3A_77, %sub3A_78 : vector<16xi32>
      %ge3A_80 = arith.constant 0 : i32
      %ge3A_81 = vector.broadcast %ge3A_80 : i32 to vector<16xi32>
      %ge3A_82 = arith.cmpi sge, %sub3A_79, %ge3A_81 : vector<16xi32>
      %lt3A_83 = arith.constant 5000 : i32
      %lt3A_84 = vector.broadcast %lt3A_83 : i32 to vector<16xi32>
      %lt3A_85 = arith.cmpi slt, %sub3A_79, %lt3A_84 : vector<16xi32>
      %and3A_86 = arith.andi %ge3A_82, %lt3A_85 : vector<16xi1>
      %select_n3A_87 = arith.select %and3A_86, %sub3A_79, %add3A_8 : vector<16xi1>, vector<16xi32>
      %swap3A_88 = arith.constant 0 : i32
      %swap3A_89 = arith.index_cast %swap3A_88 : i32 to index
      %swap3A_90 = arith.constant 16 : index
      %swap3A_91 = tpu.vector_load %arg6[%swap3A_89, %swap3A_90] {strides = array<i32>} : memref<2x128xi32, #tpu.memory_space<vmem>>, vector<1x16xi32>,
      %swap3A_92 = vector.shape_cast %swap3A_91 : vector<1x16xi32> to vector<16xi32>
      %swap3A_93 = vector.shape_cast %select_n3A_87 : vector<16xi32> to vector<1x16xi32>
      tpu.vector_store %arg6[%swap3A_89, %swap3A_90], %swap3A_93 {strides = array<i32>} : memref<2x128xi32, #tpu.memory_space<vmem>>, vector<1x16xi32>,
      %get3A_94 = arith.constant 0 : i32
      %get3A_95 = arith.index_cast %get3A_94 : i32 to index
      %get3A_96 = arith.constant 32 : index
      %get3A_97 = tpu.vector_load %arg6[%get3A_95, %get3A_96] {strides = array<i32>} : memref<2x128xi32, #tpu.memory_space<vmem>>, vector<1x16xi32>,
      %get3A_98 = vector.shape_cast %get3A_97 : vector<1x16xi32> to vector<16xi32>
      %sub3A_99 = vector.broadcast %mul3A_4 : i32 to vector<16xi32>
      %sub3A_100 = arith.subi %get3A_98, %sub3A_99 : vector<16xi32>
      %ge3A_101 = arith.constant 0 : i32
      %ge3A_102 = vector.broadcast %ge3A_101 : i32 to vector<16xi32>
      %ge3A_103 = arith.cmpi sge, %sub3A_100, %ge3A_102 : vector<16xi32>
      %lt3A_104 = arith.constant 5000 : i32
      %lt3A_105 = vector.broadcast %lt3A_104 : i32 to vector<16xi32>
      %lt3A_106 = arith.cmpi slt, %sub3A_100, %lt3A_105 : vector<16xi32>
      %and3A_107 = arith.andi %ge3A_103, %lt3A_106 : vector<16xi1>
      %select_n3A_108 = arith.select %and3A_107, %sub3A_100, %add3A_8 : vector<16xi1>, vector<16xi32>
      %swap3A_109 = arith.constant 0 : i32
      %swap3A_110 = arith.index_cast %swap3A_109 : i32 to index
      %swap3A_111 = arith.constant 32 : index
      %swap3A_112 = tpu.vector_load %arg6[%swap3A_110, %swap3A_111] {strides = array<i32>} : memref<2x128xi32, #tpu.memory_space<vmem>>, vector<1x16xi32>,
      %swap3A_113 = vector.shape_cast %swap3A_112 : vector<1x16xi32> to vector<16xi32>
      %swap3A_114 = vector.shape_cast %select_n3A_108 : vector<16xi32> to vector<1x16xi32>
      tpu.vector_store %arg6[%swap3A_110, %swap3A_111], %swap3A_114 {strides = array<i32>} : memref<2x128xi32, #tpu.memory_space<vmem>>, vector<1x16xi32>,
      %get3A_115 = arith.constant 0 : i32
      %get3A_116 = arith.index_cast %get3A_115 : i32 to index
      %get3A_117 = arith.constant 48 : index
      %get3A_118 = tpu.vector_load %arg6[%get3A_116, %get3A_117] {strides = array<i32>} : memref<2x128xi32, #tpu.memory_space<vmem>>, vector<1x16xi32>,
      %get3A_119 = vector.shape_cast %get3A_118 : vector<1x16xi32> to vector<16xi32>
      %sub3A_120 = vector.broadcast %mul3A_4 : i32 to vector<16xi32>
      %sub3A_121 = arith.subi %get3A_119, %sub3A_120 : vector<16xi32>
      %ge3A_122 = arith.constant 0 : i32
      %ge3A_123 = vector.broadcast %ge3A_122 : i32 to vector<16xi32>
      %ge3A_124 = arith.cmpi sge, %sub3A_121, %ge3A_123 : vector<16xi32>
      %lt3A_125 = arith.constant 5000 : i32
      %lt3A_126 = vector.broadcast %lt3A_125 : i32 to vector<16xi32>
      %lt3A_127 = arith.cmpi slt, %sub3A_121, %lt3A_126 : vector<16xi32>
      %and3A_128 = arith.andi %ge3A_124, %lt3A_127 : vector<16xi1>
      %select_n3A_129 = arith.select %and3A_128, %sub3A_121, %add3A_8 : vector<16xi1>, vector<16xi32>
      %swap3A_130 = arith.constant 0 : i32
      %swap3A_131 = arith.index_cast %swap3A_130 : i32 to index
      %swap3A_132 = arith.constant 48 : index
      %swap3A_133 = tpu.vector_load %arg6[%swap3A_131, %swap3A_132] {strides = array<i32>} : memref<2x128xi32, #tpu.memory_space<vmem>>, vector<1x16xi32>,
      %swap3A_134 = vector.shape_cast %swap3A_133 : vector<1x16xi32> to vector<16xi32>
      %swap3A_135 = vector.shape_cast %select_n3A_129 : vector<16xi32> to vector<1x16xi32>
      tpu.vector_store %arg6[%swap3A_131, %swap3A_132], %swap3A_135 {strides = array<i32>} : memref<2x128xi32, #tpu.memory_space<vmem>>, vector<1x16xi32>,
      %get3A_136 = arith.constant 0 : i32
      %get3A_137 = arith.index_cast %get3A_136 : i32 to index
      %get3A_138 = arith.constant 64 : index
      %get3A_139 = tpu.vector_load %arg6[%get3A_137, %get3A_138] {strides = array<i32>} : memref<2x128xi32, #tpu.memory_space<vmem>>, vector<1x16xi32>,
      %get3A_140 = vector.shape_cast %get3A_139 : vector<1x16xi32> to vector<16xi32>
      %sub3A_141 = vector.broadcast %mul3A_4 : i32 to vector<16xi32>
      %sub3A_142 = arith.subi %get3A_140, %sub3A_141 : vector<16xi32>
      %ge3A_143 = arith.constant 0 : i32
      %ge3A_144 = vector.broadcast %ge3A_143 : i32 to vector<16xi32>
      %ge3A_145 = arith.cmpi sge, %sub3A_142, %ge3A_144 : vector<16xi32>
      %lt3A_146 = arith.constant 5000 : i32
      %lt3A_147 = vector.broadcast %lt3A_146 : i32 to vector<16xi32>
      %lt3A_148 = arith.cmpi slt, %sub3A_142, %lt3A_147 : vector<16xi32>
      %and3A_149 = arith.andi %ge3A_145, %lt3A_148 : vector<16xi1>
      %select_n3A_150 = arith.select %and3A_149, %sub3A_142, %add3A_8 : vector<16xi1>, vector<16xi32>
      %swap3A_151 = arith.constant 0 : i32
      %swap3A_152 = arith.index_cast %swap3A_151 : i32 to index
      %swap3A_153 = arith.constant 64 : index
      %swap3A_154 = tpu.vector_load %arg6[%swap3A_152, %swap3A_153] {strides = array<i32>} : memref<2x128xi32, #tpu.memory_space<vmem>>, vector<1x16xi32>,
      %swap3A_155 = vector.shape_cast %swap3A_154 : vector<1x16xi32> to vector<16xi32>
      %swap3A_156 = vector.shape_cast %select_n3A_150 : vector<16xi32> to vector<1x16xi32>
      tpu.vector_store %arg6[%swap3A_152, %swap3A_153], %swap3A_156 {strides = array<i32>} : memref<2x128xi32, #tpu.memory_space<vmem>>, vector<1x16xi32>,
      %get3A_157 = arith.constant 0 : i32
      %get3A_158 = arith.index_cast %get3A_157 : i32 to index
      %get3A_159 = arith.constant 80 : index
      %get3A_160 = tpu.vector_load %arg6[%get3A_158, %get3A_159] {strides = array<i32>} : memref<2x128xi32, #tpu.memory_space<vmem>>, vector<1x16xi32>,
      %get3A_161 = vector.shape_cast %get3A_160 : vector<1x16xi32> to vector<16xi32>
      %sub3A_162 = vector.broadcast %mul3A_4 : i32 to vector<16xi32>
      %sub3A_163 = arith.subi %get3A_161, %sub3A_162 : vector<16xi32>
      %ge3A_164 = arith.constant 0 : i32
      %ge3A_165 = vector.broadcast %ge3A_164 : i32 to vector<16xi32>
      %ge3A_166 = arith.cmpi sge, %sub3A_163, %ge3A_165 : vector<16xi32>
      %lt3A_167 = arith.constant 5000 : i32
      %lt3A_168 = vector.broadcast %lt3A_167 : i32 to vector<16xi32>
      %lt3A_169 = arith.cmpi slt, %sub3A_163, %lt3A_168 : vector<16xi32>
      %and3A_170 = arith.andi %ge3A_166, %lt3A_169 : vector<16xi1>
      %select_n3A_171 = arith.select %and3A_170, %sub3A_163, %add3A_8 : vector<16xi1>, vector<16xi32>
      %swap3A_172 = arith.constant 0 : i32
      %swap3A_173 = arith.index_cast %swap3A_172 : i32 to index
      %swap3A_174 = arith.constant 80 : index
      %swap3A_175 = tpu.vector_load %arg6[%swap3A_173, %swap3A_174] {strides = array<i32>} : memref<2x128xi32, #tpu.memory_space<vmem>>, vector<1x16xi32>,
      %swap3A_176 = vector.shape_cast %swap3A_175 : vector<1x16xi32> to vector<16xi32>
      %swap3A_177 = vector.shape_cast %select_n3A_171 : vector<16xi32> to vector<1x16xi32>
      tpu.vector_store %arg6[%swap3A_173, %swap3A_174], %swap3A_177 {strides = array<i32>} : memref<2x128xi32, #tpu.memory_space<vmem>>, vector<1x16xi32>,
      %get3A_178 = arith.constant 0 : i32
      %get3A_179 = arith.index_cast %get3A_178 : i32 to index
      %get3A_180 = arith.constant 96 : index
      %get3A_181 = tpu.vector_load %arg6[%get3A_179, %get3A_180] {strides = array<i32>} : memref<2x128xi32, #tpu.memory_space<vmem>>, vector<1x16xi32>,
      %get3A_182 = vector.shape_cast %get3A_181 : vector<1x16xi32> to vector<16xi32>
      %sub3A_183 = vector.broadcast %mul3A_4 : i32 to vector<16xi32>
      %sub3A_184 = arith.subi %get3A_182, %sub3A_183 : vector<16xi32>
      %ge3A_185 = arith.constant 0 : i32
      %ge3A_186 = vector.broadcast %ge3A_185 : i32 to vector<16xi32>
      %ge3A_187 = arith.cmpi sge, %sub3A_184, %ge3A_186 : vector<16xi32>
      %lt3A_188 = arith.constant 5000 : i32
      %lt3A_189 = vector.broadcast %lt3A_188 : i32 to vector<16xi32>
      %lt3A_190 = arith.cmpi slt, %sub3A_184, %lt3A_189 : vector<16xi32>
      %and3A_191 = arith.andi %ge3A_187, %lt3A_190 : vector<16xi1>
      %select_n3A_192 = arith.select %and3A_191, %sub3A_184, %add3A_8 : vector<16xi1>, vector<16xi32>
      %swap3A_193 = arith.constant 0 : i32
      %swap3A_194 = arith.index_cast %swap3A_193 : i32 to index
      %swap3A_195 = arith.constant 96 : index
      %swap3A_196 = tpu.vector_load %arg6[%swap3A_194, %swap3A_195] {strides = array<i32>} : memref<2x128xi32, #tpu.memory_space<vmem>>, vector<1x16xi32>,
      %swap3A_197 = vector.shape_cast %swap3A_196 : vector<1x16xi32> to vector<16xi32>
      %swap3A_198 = vector.shape_cast %select_n3A_192 : vector<16xi32> to vector<1x16xi32>
      tpu.vector_store %arg6[%swap3A_194, %swap3A_195], %swap3A_198 {strides = array<i32>} : memref<2x128xi32, #tpu.memory_space<vmem>>, vector<1x16xi32>,
      %get3A_199 = arith.constant 0 : i32
      %get3A_200 = arith.index_cast %get3A_199 : i32 to index
      %get3A_201 = arith.constant 112 : index
      %get3A_202 = tpu.vector_load %arg6[%get3A_200, %get3A_201] {strides = array<i32>} : memref<2x128xi32, #tpu.memory_space<vmem>>, vector<1x16xi32>,
      %get3A_203 = vector.shape_cast %get3A_202 : vector<1x16xi32> to vector<16xi32>
      %sub3A_204 = vector.broadcast %mul3A_4 : i32 to vector<16xi32>
      %sub3A_205 = arith.subi %get3A_203, %sub3A_204 : vector<16xi32>
      %ge3A_206 = arith.constant 0 : i32
      %ge3A_207 = vector.broadcast %ge3A_206 : i32 to vector<16xi32>
      %ge3A_208 = arith.cmpi sge, %sub3A_205, %ge3A_207 : vector<16xi32>
      %lt3A_209 = arith.constant 5000 : i32
      %lt3A_210 = vector.broadcast %lt3A_209 : i32 to vector<16xi32>
      %lt3A_211 = arith.cmpi slt, %sub3A_205, %lt3A_210 : vector<16xi32>
      %and3A_212 = arith.andi %ge3A_208, %lt3A_211 : vector<16xi1>
      %select_n3A_213 = arith.select %and3A_212, %sub3A_205, %add3A_8 : vector<16xi1>, vector<16xi32>
      %swap3A_214 = arith.constant 0 : i32
      %swap3A_215 = arith.index_cast %swap3A_214 : i32 to index
      %swap3A_216 = arith.constant 112 : index
      %swap3A_217 = tpu.vector_load %arg6[%swap3A_215, %swap3A_216] {strides = array<i32>} : memref<2x128xi32, #tpu.memory_space<vmem>>, vector<1x16xi32>,
      %swap3A_218 = vector.shape_cast %swap3A_217 : vector<1x16xi32> to vector<16xi32>
      %swap3A_219 = vector.shape_cast %select_n3A_213 : vector<16xi32> to vector<1x16xi32>
      tpu.vector_store %arg6[%swap3A_215, %swap3A_216], %swap3A_219 {strides = array<i32>} : memref<2x128xi32, #tpu.memory_space<vmem>>, vector<1x16xi32>,
      %get3A_220 = arith.constant 1 : i32
      %get3A_221 = arith.index_cast %get3A_220 : i32 to index
      %get3A_222 = arith.constant 0 : index
      %get3A_223 = tpu.vector_load %arg6[%get3A_221, %get3A_222] {strides = array<i32>} : memref<2x128xi32, #tpu.memory_space<vmem>>, vector<1x16xi32>,
      %get3A_224 = vector.shape_cast %get3A_223 : vector<1x16xi32> to vector<16xi32>
      %sub3A_225 = vector.broadcast %mul3A_4 : i32 to vector<16xi32>
      %sub3A_226 = arith.subi %get3A_224, %sub3A_225 : vector<16xi32>
      %ge3A_227 = arith.constant 0 : i32
      %ge3A_228 = vector.broadcast %ge3A_227 : i32 to vector<16xi32>
      %ge3A_229 = arith.cmpi sge, %sub3A_226, %ge3A_228 : vector<16xi32>
      %lt3A_230 = arith.constant 5000 : i32
      %lt3A_231 = vector.broadcast %lt3A_230 : i32 to vector<16xi32>
      %lt3A_232 = arith.cmpi slt, %sub3A_226, %lt3A_231 : vector<16xi32>
      %and3A_233 = arith.andi %ge3A_229, %lt3A_232 : vector<16xi1>
      %select_n3A_234 = arith.select %and3A_233, %sub3A_226, %add3A_8 : vector<16xi1>, vector<16xi32>
      %swap3A_235 = arith.constant 1 : i32
      %swap3A_236 = arith.index_cast %swap3A_235 : i32 to index
      %swap3A_237 = arith.constant 0 : index
      %swap3A_238 = tpu.vector_load %arg6[%swap3A_236, %swap3A_237] {strides = array<i32>} : memref<2x128xi32, #tpu.memory_space<vmem>>, vector<1x16xi32>,
      %swap3A_239 = vector.shape_cast %swap3A_238 : vector<1x16xi32> to vector<16xi32>
      %swap3A_240 = vector.shape_cast %select_n3A_234 : vector<16xi32> to vector<1x16xi32>
      tpu.vector_store %arg6[%swap3A_236, %swap3A_237], %swap3A_240 {strides = array<i32>} : memref<2x128xi32, #tpu.memory_space<vmem>>, vector<1x16xi32>,
      %get3A_241 = arith.constant 1 : i32
      %get3A_242 = arith.index_cast %get3A_241 : i32 to index
      %get3A_243 = arith.constant 16 : index
      %get3A_244 = tpu.vector_load %arg6[%get3A_242, %get3A_243] {strides = array<i32>} : memref<2x128xi32, #tpu.memory_space<vmem>>, vector<1x16xi32>,
      %get3A_245 = vector.shape_cast %get3A_244 : vector<1x16xi32> to vector<16xi32>
      %sub3A_246 = vector.broadcast %mul3A_4 : i32 to vector<16xi32>
      %sub3A_247 = arith.subi %get3A_245, %sub3A_246 : vector<16xi32>
      %ge3A_248 = arith.constant 0 : i32
      %ge3A_249 = vector.broadcast %ge3A_248 : i32 to vector<16xi32>
      %ge3A_250 = arith.cmpi sge, %sub3A_247, %ge3A_249 : vector<16xi32>
      %lt3A_251 = arith.constant 5000 : i32
      %lt3A_252 = vector.broadcast %lt3A_251 : i32 to vector<16xi32>
      %lt3A_253 = arith.cmpi slt, %sub3A_247, %lt3A_252 : vector<16xi32>
      %and3A_254 = arith.andi %ge3A_250, %lt3A_253 : vector<16xi1>
      %select_n3A_255 = arith.select %and3A_254, %sub3A_247, %add3A_8 : vector<16xi1>, vector<16xi32>
      %swap3A_256 = arith.constant 1 : i32
      %swap3A_257 = arith.index_cast %swap3A_256 : i32 to index
      %swap3A_258 = arith.constant 16 : index
      %swap3A_259 = tpu.vector_load %arg6[%swap3A_257, %swap3A_258] {strides = array<i32>} : memref<2x128xi32, #tpu.memory_space<vmem>>, vector<1x16xi32>,
      %swap3A_260 = vector.shape_cast %swap3A_259 : vector<1x16xi32> to vector<16xi32>
      %swap3A_261 = vector.shape_cast %select_n3A_255 : vector<16xi32> to vector<1x16xi32>
      tpu.vector_store %arg6[%swap3A_257, %swap3A_258], %swap3A_261 {strides = array<i32>} : memref<2x128xi32, #tpu.memory_space<vmem>>, vector<1x16xi32>,
      %get3A_262 = arith.constant 1 : i32
      %get3A_263 = arith.index_cast %get3A_262 : i32 to index
      %get3A_264 = arith.constant 32 : index
      %get3A_265 = tpu.vector_load %arg6[%get3A_263, %get3A_264] {strides = array<i32>} : memref<2x128xi32, #tpu.memory_space<vmem>>, vector<1x16xi32>,
      %get3A_266 = vector.shape_cast %get3A_265 : vector<1x16xi32> to vector<16xi32>
      %sub3A_267 = vector.broadcast %mul3A_4 : i32 to vector<16xi32>
      %sub3A_268 = arith.subi %get3A_266, %sub3A_267 : vector<16xi32>
      %ge3A_269 = arith.constant 0 : i32
      %ge3A_270 = vector.broadcast %ge3A_269 : i32 to vector<16xi32>
      %ge3A_271 = arith.cmpi sge, %sub3A_268, %ge3A_270 : vector<16xi32>
      %lt3A_272 = arith.constant 5000 : i32
      %lt3A_273 = vector.broadcast %lt3A_272 : i32 to vector<16xi32>
      %lt3A_274 = arith.cmpi slt, %sub3A_268, %lt3A_273 : vector<16xi32>
      %and3A_275 = arith.andi %ge3A_271, %lt3A_274 : vector<16xi1>
      %select_n3A_276 = arith.select %and3A_275, %sub3A_268, %add3A_8 : vector<16xi1>, vector<16xi32>
      %swap3A_277 = arith.constant 1 : i32
      %swap3A_278 = arith.index_cast %swap3A_277 : i32 to index
      %swap3A_279 = arith.constant 32 : index
      %swap3A_280 = tpu.vector_load %arg6[%swap3A_278, %swap3A_279] {strides = array<i32>} : memref<2x128xi32, #tpu.memory_space<vmem>>, vector<1x16xi32>,
      %swap3A_281 = vector.shape_cast %swap3A_280 : vector<1x16xi32> to vector<16xi32>
      %swap3A_282 = vector.shape_cast %select_n3A_276 : vector<16xi32> to vector<1x16xi32>
      tpu.vector_store %arg6[%swap3A_278, %swap3A_279], %swap3A_282 {strides = array<i32>} : memref<2x128xi32, #tpu.memory_space<vmem>>, vector<1x16xi32>,
      %get3A_283 = arith.constant 1 : i32
      %get3A_284 = arith.index_cast %get3A_283 : i32 to index
      %get3A_285 = arith.constant 48 : index
      %get3A_286 = tpu.vector_load %arg6[%get3A_284, %get3A_285] {strides = array<i32>} : memref<2x128xi32, #tpu.memory_space<vmem>>, vector<1x16xi32>,
      %get3A_287 = vector.shape_cast %get3A_286 : vector<1x16xi32> to vector<16xi32>
      %sub3A_288 = vector.broadcast %mul3A_4 : i32 to vector<16xi32>
      %sub3A_289 = arith.subi %get3A_287, %sub3A_288 : vector<16xi32>
      %ge3A_290 = arith.constant 0 : i32
      %ge3A_291 = vector.broadcast %ge3A_290 : i32 to vector<16xi32>
      %ge3A_292 = arith.cmpi sge, %sub3A_289, %ge3A_291 : vector<16xi32>
      %lt3A_293 = arith.constant 5000 : i32
      %lt3A_294 = vector.broadcast %lt3A_293 : i32 to vector<16xi32>
      %lt3A_295 = arith.cmpi slt, %sub3A_289, %lt3A_294 : vector<16xi32>
      %and3A_296 = arith.andi %ge3A_292, %lt3A_295 : vector<16xi1>
      %select_n3A_297 = arith.select %and3A_296, %sub3A_289, %add3A_8 : vector<16xi1>, vector<16xi32>
      %swap3A_298 = arith.constant 1 : i32
      %swap3A_299 = arith.index_cast %swap3A_298 : i32 to index
      %swap3A_300 = arith.constant 48 : index
      %swap3A_301 = tpu.vector_load %arg6[%swap3A_299, %swap3A_300] {strides = array<i32>} : memref<2x128xi32, #tpu.memory_space<vmem>>, vector<1x16xi32>,
      %swap3A_302 = vector.shape_cast %swap3A_301 : vector<1x16xi32> to vector<16xi32>
      %swap3A_303 = vector.shape_cast %select_n3A_297 : vector<16xi32> to vector<1x16xi32>
      tpu.vector_store %arg6[%swap3A_299, %swap3A_300], %swap3A_303 {strides = array<i32>} : memref<2x128xi32, #tpu.memory_space<vmem>>, vector<1x16xi32>,
      %get3A_304 = arith.constant 1 : i32
      %get3A_305 = arith.index_cast %get3A_304 : i32 to index
      %get3A_306 = arith.constant 64 : index
      %get3A_307 = tpu.vector_load %arg6[%get3A_305, %get3A_306] {strides = array<i32>} : memref<2x128xi32, #tpu.memory_space<vmem>>, vector<1x16xi32>,
      %get3A_308 = vector.shape_cast %get3A_307 : vector<1x16xi32> to vector<16xi32>
      %sub3A_309 = vector.broadcast %mul3A_4 : i32 to vector<16xi32>
      %sub3A_310 = arith.subi %get3A_308, %sub3A_309 : vector<16xi32>
      %ge3A_311 = arith.constant 0 : i32
      %ge3A_312 = vector.broadcast %ge3A_311 : i32 to vector<16xi32>
      %ge3A_313 = arith.cmpi sge, %sub3A_310, %ge3A_312 : vector<16xi32>
      %lt3A_314 = arith.constant 5000 : i32
      %lt3A_315 = vector.broadcast %lt3A_314 : i32 to vector<16xi32>
      %lt3A_316 = arith.cmpi slt, %sub3A_310, %lt3A_315 : vector<16xi32>
      %and3A_317 = arith.andi %ge3A_313, %lt3A_316 : vector<16xi1>
      %select_n3A_318 = arith.select %and3A_317, %sub3A_310, %add3A_8 : vector<16xi1>, vector<16xi32>
      %swap3A_319 = arith.constant 1 : i32
      %swap3A_320 = arith.index_cast %swap3A_319 : i32 to index
      %swap3A_321 = arith.constant 64 : index
      %swap3A_322 = tpu.vector_load %arg6[%swap3A_320, %swap3A_321] {strides = array<i32>} : memref<2x128xi32, #tpu.memory_space<vmem>>, vector<1x16xi32>,
      %swap3A_323 = vector.shape_cast %swap3A_322 : vector<1x16xi32> to vector<16xi32>
      %swap3A_324 = vector.shape_cast %select_n3A_318 : vector<16xi32> to vector<1x16xi32>
      tpu.vector_store %arg6[%swap3A_320, %swap3A_321], %swap3A_324 {strides = array<i32>} : memref<2x128xi32, #tpu.memory_space<vmem>>, vector<1x16xi32>,
      %get3A_325 = arith.constant 1 : i32
      %get3A_326 = arith.index_cast %get3A_325 : i32 to index
      %get3A_327 = arith.constant 80 : index
      %get3A_328 = tpu.vector_load %arg6[%get3A_326, %get3A_327] {strides = array<i32>} : memref<2x128xi32, #tpu.memory_space<vmem>>, vector<1x16xi32>,
      %get3A_329 = vector.shape_cast %get3A_328 : vector<1x16xi32> to vector<16xi32>
      %sub3A_330 = vector.broadcast %mul3A_4 : i32 to vector<16xi32>
      %sub3A_331 = arith.subi %get3A_329, %sub3A_330 : vector<16xi32>
      %ge3A_332 = arith.constant 0 : i32
      %ge3A_333 = vector.broadcast %ge3A_332 : i32 to vector<16xi32>
      %ge3A_334 = arith.cmpi sge, %sub3A_331, %ge3A_333 : vector<16xi32>
      %lt3A_335 = arith.constant 5000 : i32
      %lt3A_336 = vector.broadcast %lt3A_335 : i32 to vector<16xi32>
      %lt3A_337 = arith.cmpi slt, %sub3A_331, %lt3A_336 : vector<16xi32>
      %and3A_338 = arith.andi %ge3A_334, %lt3A_337 : vector<16xi1>
      %select_n3A_339 = arith.select %and3A_338, %sub3A_331, %add3A_8 : vector<16xi1>, vector<16xi32>
      %swap3A_340 = arith.constant 1 : i32
      %swap3A_341 = arith.index_cast %swap3A_340 : i32 to index
      %swap3A_342 = arith.constant 80 : index
      %swap3A_343 = tpu.vector_load %arg6[%swap3A_341, %swap3A_342] {strides = array<i32>} : memref<2x128xi32, #tpu.memory_space<vmem>>, vector<1x16xi32>,
      %swap3A_344 = vector.shape_cast %swap3A_343 : vector<1x16xi32> to vector<16xi32>
      %swap3A_345 = vector.shape_cast %select_n3A_339 : vector<16xi32> to vector<1x16xi32>
      tpu.vector_store %arg6[%swap3A_341, %swap3A_342], %swap3A_345 {strides = array<i32>} : memref<2x128xi32, #tpu.memory_space<vmem>>, vector<1x16xi32>,
      %get3A_346 = arith.constant 1 : i32
      %get3A_347 = arith.index_cast %get3A_346 : i32 to index
      %get3A_348 = arith.constant 96 : index
      %get3A_349 = tpu.vector_load %arg6[%get3A_347, %get3A_348] {strides = array<i32>} : memref<2x128xi32, #tpu.memory_space<vmem>>, vector<1x16xi32>,
      %get3A_350 = vector.shape_cast %get3A_349 : vector<1x16xi32> to vector<16xi32>
      %sub3A_351 = vector.broadcast %mul3A_4 : i32 to vector<16xi32>
      %sub3A_352 = arith.subi %get3A_350, %sub3A_351 : vector<16xi32>
      %ge3A_353 = arith.constant 0 : i32
      %ge3A_354 = vector.broadcast %ge3A_353 : i32 to vector<16xi32>
      %ge3A_355 = arith.cmpi sge, %sub3A_352, %ge3A_354 : vector<16xi32>
      %lt3A_356 = arith.constant 5000 : i32
      %lt3A_357 = vector.broadcast %lt3A_356 : i32 to vector<16xi32>
      %lt3A_358 = arith.cmpi slt, %sub3A_352, %lt3A_357 : vector<16xi32>
      %and3A_359 = arith.andi %ge3A_355, %lt3A_358 : vector<16xi1>
      %select_n3A_360 = arith.select %and3A_359, %sub3A_352, %add3A_8 : vector<16xi1>, vector<16xi32>
      %swap3A_361 = arith.constant 1 : i32
      %swap3A_362 = arith.index_cast %swap3A_361 : i32 to index
      %swap3A_363 = arith.constant 96 : index
      %swap3A_364 = tpu.vector_load %arg6[%swap3A_362, %swap3A_363] {strides = array<i32>} : memref<2x128xi32, #tpu.memory_space<vmem>>, vector<1x16xi32>,
      %swap3A_365 = vector.shape_cast %swap3A_364 : vector<1x16xi32> to vector<16xi32>
      %swap3A_366 = vector.shape_cast %select_n3A_360 : vector<16xi32> to vector<1x16xi32>
      tpu.vector_store %arg6[%swap3A_362, %swap3A_363], %swap3A_366 {strides = array<i32>} : memref<2x128xi32, #tpu.memory_space<vmem>>, vector<1x16xi32>,
      %get3A_367 = arith.constant 1 : i32
      %get3A_368 = arith.index_cast %get3A_367 : i32 to index
      %get3A_369 = arith.constant 112 : index
      %get3A_370 = tpu.vector_load %arg6[%get3A_368, %get3A_369] {strides = array<i32>} : memref<2x128xi32, #tpu.memory_space<vmem>>, vector<1x16xi32>,
      %get3A_371 = vector.shape_cast %get3A_370 : vector<1x16xi32> to vector<16xi32>
      %sub3A_372 = vector.broadcast %mul3A_4 : i32 to vector<16xi32>
      %sub3A_373 = arith.subi %get3A_371, %sub3A_372 : vector<16xi32>
      %ge3A_374 = arith.constant 0 : i32
      %ge3A_375 = vector.broadcast %ge3A_374 : i32 to vector<16xi32>
      %ge3A_376 = arith.cmpi sge, %sub3A_373, %ge3A_375 : vector<16xi32>
      %lt3A_377 = arith.constant 5000 : i32
      %lt3A_378 = vector.broadcast %lt3A_377 : i32 to vector<16xi32>
      %lt3A_379 = arith.cmpi slt, %sub3A_373, %lt3A_378 : vector<16xi32>
      %and3A_380 = arith.andi %ge3A_376, %lt3A_379 : vector<16xi1>
      %select_n3A_381 = arith.select %and3A_380, %sub3A_373, %add3A_8 : vector<16xi1>, vector<16xi32>
      %swap3A_382 = arith.constant 1 : i32
      %swap3A_383 = arith.index_cast %swap3A_382 : i32 to index
      %swap3A_384 = arith.constant 112 : index
      %swap3A_385 = tpu.vector_load %arg6[%swap3A_383, %swap3A_384] {strides = array<i32>} : memref<2x128xi32, #tpu.memory_space<vmem>>, vector<1x16xi32>,
      %swap3A_386 = vector.shape_cast %swap3A_385 : vector<1x16xi32> to vector<16xi32>
      %swap3A_387 = vector.shape_cast %select_n3A_381 : vector<16xi32> to vector<1x16xi32>
      tpu.vector_store %arg6[%swap3A_383, %swap3A_384], %swap3A_387 {strides = array<i32>} : memref<2x128xi32, #tpu.memory_space<vmem>>, vector<1x16xi32>,
      %run_scoped3A = arith.constant 0 : i32
      "tpu.region"() ({
        %run_scoped3A_389 = tpu.sem_alloc : memref<!tpu.dma_semaphore, #tpu.memory_space<semaphore_mem>>
        %dma_start3A_390 = arith.constant 0 : i32
        %dma_start3A_391 = arith.constant 0 : i32
        %dma_start3A_392 = tpu.memref_slice %arg8[%dma_start3A_390, %dma_start3A_391] : memref<256x128xf32, #tpu.memory_space<vmem>> -> memref<128x128xf32, #tpu.memory_space<vmem>>
        %dma_start3A_393 = arith.constant 0 : i32
        %dma_start3A_394 = tpu.memref_slice %arg6[%run_scoped3A, %dma_start3A_393] : memref<2x128xi32, #tpu.memory_space<vmem>> -> memref<1x128xi32, #tpu.memory_space<vmem>>
        %dma_start3A_395 = tpu.memref_squeeze %dma_start3A_394 : memref<1x128xi32, #tpu.memory_space<vmem>> -> memref<128xi32, #tpu.memory_space<vmem>>
        %dma_start3A_396 = arith.constant 0 : i32
        %dma_start3A_397 = arith.constant 0 : i32
        %dma_start3A_398 = tpu.memref_slice %arg10[%dma_start3A_396, %dma_start3A_397] : memref<5008x128xf32, #tpu.memory_space<vmem_shared>> -> memref<5008x128xf32, #tpu.memory_space<vmem_shared>>
        tpu.enqueue_indirect_dma source(%dma_start3A_392 : memref<128x128xf32, #tpu.memory_space<vmem>>) target(%dma_start3A_398 : memref<5008x128xf32, #tpu.memory_space<vmem_shared>>) offsets(%dma_start3A_395 : memref<128xi32, #tpu.memory_space<vmem>>) semaphore(%run_scoped3A_389 : memref<!tpu.dma_semaphore, #tpu.memory_space<semaphore_mem>>) {add = true}
        %dma_wait3A_399 = arith.constant 0 : i32
        %dma_wait3A_400 = arith.constant 0 : i32
        %dma_wait3A_401 = tpu.memref_slice %arg8[%dma_wait3A_399, %dma_wait3A_400] : memref<256x128xf32, #tpu.memory_space<vmem>> -> memref<128x128xf32, #tpu.memory_space<vmem>>
        %dma_wait3A_402 = arith.constant 0 : i32
        %dma_wait3A_403 = tpu.memref_slice %arg6[%run_scoped3A, %dma_wait3A_402] : memref<2x128xi32, #tpu.memory_space<vmem>> -> memref<1x128xi32, #tpu.memory_space<vmem>>
        %dma_wait3A_404 = tpu.memref_squeeze %dma_wait3A_403 : memref<1x128xi32, #tpu.memory_space<vmem>> -> memref<128xi32, #tpu.memory_space<vmem>>
        %dma_wait3A_405 = arith.constant 0 : i32
        %dma_wait3A_406 = arith.constant 0 : i32
        %dma_wait3A_407 = tpu.memref_slice %arg10[%dma_wait3A_405, %dma_wait3A_406] : memref<5008x128xf32, #tpu.memory_space<vmem_shared>> -> memref<5008x128xf32, #tpu.memory_space<vmem_shared>>
        tpu.wait_indirect_dma semaphore(%run_scoped3A_389 : memref<!tpu.dma_semaphore, #tpu.memory_space<semaphore_mem>>) src(%dma_wait3A_401 : memref<128x128xf32, #tpu.memory_space<vmem>>) dst(%dma_wait3A_407 : memref<5008x128xf32, #tpu.memory_space<vmem_shared>>)
        tpu.yield
      }) : () -> ()
      %run_scoped3A_388 = arith.constant 1 : i32
      "tpu.region"() ({
        %run_scoped3A_389 = tpu.sem_alloc : memref<!tpu.dma_semaphore, #tpu.memory_space<semaphore_mem>>
        %dma_start3A_390 = arith.constant 128 : i32
        %dma_start3A_391 = arith.constant 0 : i32
        %dma_start3A_392 = tpu.memref_slice %arg8[%dma_start3A_390, %dma_start3A_391] : memref<256x128xf32, #tpu.memory_space<vmem>> -> memref<128x128xf32, #tpu.memory_space<vmem>>
        %dma_start3A_393 = arith.constant 0 : i32
        %dma_start3A_394 = tpu.memref_slice %arg6[%run_scoped3A_388, %dma_start3A_393] : memref<2x128xi32, #tpu.memory_space<vmem>> -> memref<1x128xi32, #tpu.memory_space<vmem>>
        %dma_start3A_395 = tpu.memref_squeeze %dma_start3A_394 : memref<1x128xi32, #tpu.memory_space<vmem>> -> memref<128xi32, #tpu.memory_space<vmem>>
        %dma_start3A_396 = arith.constant 0 : i32
        %dma_start3A_397 = arith.constant 0 : i32
        %dma_start3A_398 = tpu.memref_slice %arg10[%dma_start3A_396, %dma_start3A_397] : memref<5008x128xf32, #tpu.memory_space<vmem_shared>> -> memref<5008x128xf32, #tpu.memory_space<vmem_shared>>
        tpu.enqueue_indirect_dma source(%dma_start3A_392 : memref<128x128xf32, #tpu.memory_space<vmem>>) target(%dma_start3A_398 : memref<5008x128xf32, #tpu.memory_space<vmem_shared>>) offsets(%dma_start3A_395 : memref<128xi32, #tpu.memory_space<vmem>>) semaphore(%run_scoped3A_389 : memref<!tpu.dma_semaphore, #tpu.memory_space<semaphore_mem>>) {add = true}
        %dma_wait3A_399 = arith.constant 128 : i32
        %dma_wait3A_400 = arith.constant 0 : i32
        %dma_wait3A_401 = tpu.memref_slice %arg8[%dma_wait3A_399, %dma_wait3A_400] : memref<256x128xf32, #tpu.memory_space<vmem>> -> memref<128x128xf32, #tpu.memory_space<vmem>>
        %dma_wait3A_402 = arith.constant 0 : i32
        %dma_wait3A_403 = tpu.memref_slice %arg6[%run_scoped3A_388, %dma_wait3A_402] : memref<2x128xi32, #tpu.memory_space<vmem>> -> memref<1x128xi32, #tpu.memory_space<vmem>>
        %dma_wait3A_404 = tpu.memref_squeeze %dma_wait3A_403 : memref<1x128xi32, #tpu.memory_space<vmem>> -> memref<128xi32, #tpu.memory_space<vmem>>
        %dma_wait3A_405 = arith.constant 0 : i32
        %dma_wait3A_406 = arith.constant 0 : i32
        %dma_wait3A_407 = tpu.memref_slice %arg10[%dma_wait3A_405, %dma_wait3A_406] : memref<5008x128xf32, #tpu.memory_space<vmem_shared>> -> memref<5008x128xf32, #tpu.memory_space<vmem_shared>>
        tpu.wait_indirect_dma semaphore(%run_scoped3A_389 : memref<!tpu.dma_semaphore, #tpu.memory_space<semaphore_mem>>) src(%dma_wait3A_401 : memref<128x128xf32, #tpu.memory_space<vmem>>) dst(%dma_wait3A_407 : memref<5008x128xf32, #tpu.memory_space<vmem_shared>>)
        tpu.yield
      }) : () -> ()
    } else {
    }
    %barrier3A_47 = arith.constant 0 : index
    tpu.barrier barrier_id(%barrier3A_47)
    "tpu.region"() ({
      %run_scoped3A = tpu.sem_alloc : memref<!tpu.dma_semaphore, #tpu.memory_space<semaphore_mem>>
      %dma_start3A_53 = arith.constant 0 : i32
      %dma_start3A_54 = tpu.memref_slice %arg5[%arg0, %mul3A_0, %dma_start3A_53] : memref<2x5000x128xf32, #tpu.memory_space<hbm>> -> memref<1x312x128xf32, #tpu.memory_space<hbm>>
      %dma_start3A_55 = tpu.memref_squeeze %dma_start3A_54 : memref<1x312x128xf32, #tpu.memory_space<hbm>> -> memref<312x128xf32, #tpu.memory_space<hbm>>
      %dma_start3A_56 = arith.constant 0 : i32
      %dma_start3A_57 = tpu.memref_slice %arg10[%mul3A_0, %dma_start3A_56] : memref<5008x128xf32, #tpu.memory_space<vmem_shared>> -> memref<312x128xf32, #tpu.memory_space<vmem_shared>>
      tpu.enqueue_dma source(%dma_start3A_57 : memref<312x128xf32, #tpu.memory_space<vmem_shared>>) target(%dma_start3A_55 : memref<312x128xf32, #tpu.memory_space<hbm>>) target_semaphore(%run_scoped3A : memref<!tpu.dma_semaphore, #tpu.memory_space<semaphore_mem>>)
      %dma_wait3A_58 = arith.constant 0 : i32
      %dma_wait3A_59 = tpu.memref_slice %arg5[%arg0, %mul3A_0, %dma_wait3A_58] : memref<2x5000x128xf32, #tpu.memory_space<hbm>> -> memref<1x312x128xf32, #tpu.memory_space<hbm>>
      %dma_wait3A_60 = tpu.memref_squeeze %dma_wait3A_59 : memref<1x312x128xf32, #tpu.memory_space<hbm>> -> memref<312x128xf32, #tpu.memory_space<hbm>>
      %dma_wait3A_61 = arith.constant 0 : i32
      %dma_wait3A_62 = tpu.memref_slice %arg10[%mul3A_0, %dma_wait3A_61] : memref<5008x128xf32, #tpu.memory_space<vmem_shared>> -> memref<312x128xf32, #tpu.memory_space<vmem_shared>>
      tpu.wait_dma2 semaphore(%run_scoped3A : memref<!tpu.dma_semaphore, #tpu.memory_space<semaphore_mem>>) src(%dma_wait3A_62 : memref<312x128xf32, #tpu.memory_space<vmem_shared>>) dst(%dma_wait3A_60 : memref<312x128xf32, #tpu.memory_space<hbm>>)
      tpu.yield
    }) : () -> ()
    %eq3A_48 = arith.constant 0 : i32
    %eq3A_49 = arith.cmpi eq, %arg1, %eq3A_48 : i32
    %convert_element_type3A_50 = arith.extui %eq3A_49 : i1 to i32
    %cond3A_51 = arith.constant 0 : i32
    %cond3A_52 = arith.cmpi ne, %convert_element_type3A_50, %cond3A_51 : i32
    scf.if %cond3A_52 {
      "tpu.region"() ({
        %run_scoped3A = tpu.sem_alloc : memref<!tpu.dma_semaphore, #tpu.memory_space<semaphore_mem>>
        %dma_start3A_53 = arith.constant 4992 : i32
        %dma_start3A_54 = arith.constant 0 : i32
        %dma_start3A_55 = tpu.memref_slice %arg5[%arg0, %dma_start3A_53, %dma_start3A_54] : memref<2x5000x128xf32, #tpu.memory_space<hbm>> -> memref<1x8x128xf32, #tpu.memory_space<hbm>>
        %dma_start3A_56 = tpu.memref_squeeze %dma_start3A_55 : memref<1x8x128xf32, #tpu.memory_space<hbm>> -> memref<8x128xf32, #tpu.memory_space<hbm>>
        %dma_start3A_57 = arith.constant 4992 : i32
        %dma_start3A_58 = arith.constant 0 : i32
        %dma_start3A_59 = tpu.memref_slice %arg10[%dma_start3A_57, %dma_start3A_58] : memref<5008x128xf32, #tpu.memory_space<vmem_shared>> -> memref<8x128xf32, #tpu.memory_space<vmem_shared>>
        tpu.enqueue_dma source(%dma_start3A_59 : memref<8x128xf32, #tpu.memory_space<vmem_shared>>) target(%dma_start3A_56 : memref<8x128xf32, #tpu.memory_space<hbm>>) target_semaphore(%run_scoped3A : memref<!tpu.dma_semaphore, #tpu.memory_space<semaphore_mem>>)
        %dma_wait3A_60 = arith.constant 4992 : i32
        %dma_wait3A_61 = arith.constant 0 : i32
        %dma_wait3A_62 = tpu.memref_slice %arg5[%arg0, %dma_wait3A_60, %dma_wait3A_61] : memref<2x5000x128xf32, #tpu.memory_space<hbm>> -> memref<1x8x128xf32, #tpu.memory_space<hbm>>
        %dma_wait3A_63 = tpu.memref_squeeze %dma_wait3A_62 : memref<1x8x128xf32, #tpu.memory_space<hbm>> -> memref<8x128xf32, #tpu.memory_space<hbm>>
        %dma_wait3A_64 = arith.constant 4992 : i32
        %dma_wait3A_65 = arith.constant 0 : i32
        %dma_wait3A_66 = tpu.memref_slice %arg10[%dma_wait3A_64, %dma_wait3A_65] : memref<5008x128xf32, #tpu.memory_space<vmem_shared>> -> memref<8x128xf32, #tpu.memory_space<vmem_shared>>
        tpu.wait_dma2 semaphore(%run_scoped3A : memref<!tpu.dma_semaphore, #tpu.memory_space<semaphore_mem>>) src(%dma_wait3A_66 : memref<8x128xf32, #tpu.memory_space<vmem_shared>>) dst(%dma_wait3A_63 : memref<8x128xf32, #tpu.memory_space<hbm>>)
        tpu.yield
      }) : () -> ()
    } else {
    }
    return
  }
}

module attributes {stable_mosaic.version = 14 : i64} {
  func.func @_payload_body(%arg0: i32, %arg1: memref<12800x128xf32, #tpu.memory_space<vmem>>, %arg2: memref<16x12800xf32, #tpu.memory_space<vmem>>, %arg3: memref<16x128xf32, #tpu.memory_space<vmem>>, %arg4: memref<12800x128xf32, #tpu.memory_space<vmem>>) attributes {dimension_semantics = [#tpu.dimension_semantics<arbitrary>], iteration_bounds = array<i64: 25>, scalar_prefetch = 0 : i64, scratch_operands = 0 : i64, tpu.core_type = #tpu.core_type<tc>, window_params = [{transform_indices = @transform_0, window_bounds = array<i64: 12800, 128>}, {transform_indices = @transform_1, window_bounds = array<i64: 16, 12800>}, {pipeline_mode = #tpu.pipeline_mode<synchronous>, transform_indices = @transform_2, window_bounds = array<i64: 16, 128>}, {transform_indices = @transform_3, window_bounds = array<i64: 12800, 128>}]} {
    %get3A = arith.constant 0 : index
    %get3A_0 = arith.constant 0 : index
    %get3A_1 = vector.load %arg2[%get3A, %get3A_0] : memref<16x12800xf32, #tpu.memory_space<vmem>>, vector<16x12800xf32>
    %convert_element_type3A = arith.truncf %get3A_1 : vector<16x12800xf32> to vector<16x12800xbf16>
    %get3A_2 = arith.constant 0 : index
    %get3A_3 = arith.constant 0 : index
    %get3A_4 = vector.load %arg3[%get3A_2, %get3A_3] : memref<16x128xf32, #tpu.memory_space<vmem>>, vector<16x128xf32>
    %convert_element_type3A_5 = arith.truncf %get3A_4 : vector<16x128xf32> to vector<16x128xbf16>
    %dot_general3A = arith.constant dense<0.000000e+00> : vector<12800x128xf32>
    %dot_general3A_6 = tpu.matmul %convert_element_type3A, %convert_element_type3A_5, %dot_general3A {dimension_numbers = #tpu.dot_dimension_numbers<[0], [0], [1], [1], [0, 1, 1, 1], [], []>, transpose_lhs_hint = false} : vector<16x12800xbf16>, vector<16x128xbf16>, vector<12800x128xf32> -> vector<12800x128xf32>
    %get3A_7 = arith.constant 0 : index
    %get3A_8 = arith.constant 0 : index
    %get3A_9 = vector.load %arg1[%get3A_7, %get3A_8] : memref<12800x128xf32, #tpu.memory_space<vmem>>, vector<12800x128xf32>
    %mul3A = arith.mulf %get3A_9, %dot_general3A_6 : vector<12800x128xf32>
    %swap3A = arith.constant 0 : index
    %swap3A_10 = arith.constant 0 : index
    %swap3A_11 = vector.load %arg4[%swap3A, %swap3A_10] : memref<12800x128xf32, #tpu.memory_space<vmem>>, vector<12800x128xf32>
    tpu.vector_store %arg4[%swap3A, %swap3A_10], %mul3A {strides = array<i32>} : memref<12800x128xf32, #tpu.memory_space<vmem>>, vector<12800x128xf32>,
    return
  }
  func.func @transform_0(%arg0: i32) -> (i32, i32) {
    %c0_i32 = arith.constant 0 : i32
    %c0_i32_0 = arith.constant 0 : i32
    return %arg0, %c0_i32 : i32, i32
  }
  func.func @transform_1(%arg0: i32) -> (i32, i32) {
    %c0_i32 = arith.constant 0 : i32
    %c0_i32_0 = arith.constant 0 : i32
    return %c0_i32, %arg0 : i32, i32
  }
  func.func @transform_2(%arg0: i32) -> (i32, i32) {
    %c0_i32 = arith.constant 0 : i32
    %c0_i32_0 = arith.constant 0 : i32
    %c0_i32_1 = arith.constant 0 : i32
    return %c0_i32, %c0_i32_0 : i32, i32
  }
  func.func @transform_3(%arg0: i32) -> (i32, i32) {
    %c0_i32 = arith.constant 0 : i32
    %c0_i32_0 = arith.constant 0 : i32
    return %arg0, %c0_i32 : i32, i32
  }
}

module attributes {stable_mosaic.version = 14 : i64} {
  func.func @_force_body(%arg0: i32, %arg1: memref<12800x128xf32, #tpu.memory_space<vmem>>, %arg2: memref<16x12800xf32, #tpu.memory_space<vmem>>, %arg3: memref<16x128xf32, #tpu.memory_space<vmem>>, %arg4: memref<128x128xf32, #tpu.memory_space<vmem>>, %arg5: memref<2x2x128x128xf32, #tpu.memory_space<vmem>>, %arg6: memref<1x128xf32, #tpu.memory_space<vmem>>, %arg7: memref<1x1x12800xf32, #tpu.memory_space<vmem>>) attributes {dimension_semantics = [#tpu.dimension_semantics<arbitrary>], iteration_bounds = array<i64: 25>, scalar_prefetch = 0 : i64, scratch_operands = 0 : i64, tpu.core_type = #tpu.core_type<tc>, window_params = [{transform_indices = @transform_0, window_bounds = array<i64: 12800, 128>}, {transform_indices = @transform_1, window_bounds = array<i64: 16, 12800>}, {pipeline_mode = #tpu.pipeline_mode<synchronous>, transform_indices = @transform_2, window_bounds = array<i64: 16, 128>}, {pipeline_mode = #tpu.pipeline_mode<synchronous>, transform_indices = @transform_3, window_bounds = array<i64: 128, 128>}, {pipeline_mode = #tpu.pipeline_mode<synchronous>, transform_indices = @transform_4, window_bounds = array<i64: 2, 2, 128, 128>}, {pipeline_mode = #tpu.pipeline_mode<synchronous>, transform_indices = @transform_5, window_bounds = array<i64: 1, 128>}, {transform_indices = @transform_6, window_bounds = array<i64: 1, 1, 12800>}]} {
    %get3A = arith.constant 0 : index
    %get3A_0 = arith.constant 0 : index
    %get3A_1 = vector.load %arg1[%get3A, %get3A_0] : memref<12800x128xf32, #tpu.memory_space<vmem>>, vector<12800x128xf32>
    %get3A_2 = arith.constant 0 : index
    %get3A_3 = arith.constant 0 : index
    %get3A_4 = vector.load %arg2[%get3A_2, %get3A_3] : memref<16x12800xf32, #tpu.memory_space<vmem>>, vector<16x12800xf32>
    %convert_element_type3A = arith.truncf %get3A_4 : vector<16x12800xf32> to vector<16x12800xbf16>
    %get3A_5 = arith.constant 0 : index
    %get3A_6 = arith.constant 0 : index
    %get3A_7 = vector.load %arg3[%get3A_5, %get3A_6] : memref<16x128xf32, #tpu.memory_space<vmem>>, vector<16x128xf32>
    %convert_element_type3A_8 = arith.truncf %get3A_7 : vector<16x128xf32> to vector<16x128xbf16>
    %dot_general3A = arith.constant dense<0.000000e+00> : vector<12800x128xf32>
    %dot_general3A_9 = tpu.matmul %convert_element_type3A, %convert_element_type3A_8, %dot_general3A {dimension_numbers = #tpu.dot_dimension_numbers<[0], [0], [1], [1], [0, 1, 1, 1], [], []>, transpose_lhs_hint = false} : vector<16x12800xbf16>, vector<16x128xbf16>, vector<12800x128xf32> -> vector<12800x128xf32>
    %get3A_10 = arith.constant 0 : index
    %get3A_11 = arith.constant 0 : index
    %get3A_12 = vector.load %arg4[%get3A_10, %get3A_11] : memref<128x128xf32, #tpu.memory_space<vmem>>, vector<128x128xf32>
    %convert_element_type3A_13 = arith.truncf %get3A_1 : vector<12800x128xf32> to vector<12800x128xbf16>
    %convert_element_type3A_14 = arith.truncf %get3A_12 : vector<128x128xf32> to vector<128x128xbf16>
    %dot_general3A_15 = arith.constant dense<0.000000e+00> : vector<12800x128xf32>
    %dot_general3A_16 = tpu.matmul %convert_element_type3A_13, %convert_element_type3A_14, %dot_general3A_15 {dimension_numbers = #tpu.dot_dimension_numbers<[1], [0], [0], [1], [0, 0, 1, 1], [], []>, transpose_lhs_hint = false} : vector<12800x128xbf16>, vector<128x128xbf16>, vector<12800x128xf32> -> vector<12800x128xf32>
    %convert_element_type3A_17 = arith.truncf %dot_general3A_16 : vector<12800x128xf32> to vector<12800x128xbf16>
    %logistic3A = arith.negf %convert_element_type3A_17 : vector<12800x128xbf16>
    %logistic3A_18 = math.exp %logistic3A : vector<12800x128xbf16>
    %logistic3A_19 = arith.constant 1.000000e+00 : bf16
    %logistic3A_20 = vector.broadcast %logistic3A_19 : bf16 to vector<12800x128xbf16>
    %logistic3A_21 = arith.addf %logistic3A_20, %logistic3A_18 : vector<12800x128xbf16>
    %logistic3A_22 = arith.divf %logistic3A_20, %logistic3A_21 : vector<12800x128xbf16>
    %mul3A = arith.mulf %convert_element_type3A_17, %logistic3A_22 : vector<12800x128xbf16>
    %get3A_23 = arith.constant 0 : index
    %get3A_24 = arith.constant 0 : index
    %get3A_25 = arith.constant 0 : index
    %get3A_26 = arith.constant 0 : index
    %get3A_27 = vector.load %arg5[%get3A_23, %get3A_24, %get3A_25, %get3A_26] : memref<2x2x128x128xf32, #tpu.memory_space<vmem>>, vector<1x1x128x128xf32>
    %get3A_28 = vector.shape_cast %get3A_27 : vector<1x1x128x128xf32> to vector<128x128xf32>
    %convert_element_type3A_29 = arith.truncf %get3A_28 : vector<128x128xf32> to vector<128x128xbf16>
    %dot_general3A_30 = arith.constant dense<0.000000e+00> : vector<12800x128xf32>
    %dot_general3A_31 = tpu.matmul %mul3A, %convert_element_type3A_29, %dot_general3A_30 {dimension_numbers = #tpu.dot_dimension_numbers<[1], [0], [0], [1], [0, 0, 1, 1], [], []>, transpose_lhs_hint = false} : vector<12800x128xbf16>, vector<128x128xbf16>, vector<12800x128xf32> -> vector<12800x128xf32>
    %convert_element_type3A_32 = arith.truncf %dot_general3A_31 : vector<12800x128xf32> to vector<12800x128xbf16>
    %logistic3A_33 = arith.negf %convert_element_type3A_32 : vector<12800x128xbf16>
    %logistic3A_34 = math.exp %logistic3A_33 : vector<12800x128xbf16>
    %logistic3A_35 = arith.constant 1.000000e+00 : bf16
    %logistic3A_36 = vector.broadcast %logistic3A_35 : bf16 to vector<12800x128xbf16>
    %logistic3A_37 = arith.addf %logistic3A_36, %logistic3A_34 : vector<12800x128xbf16>
    %logistic3A_38 = arith.divf %logistic3A_36, %logistic3A_37 : vector<12800x128xbf16>
    %mul3A_39 = arith.mulf %convert_element_type3A_32, %logistic3A_38 : vector<12800x128xbf16>
    %get3A_40 = arith.constant 0 : index
    %get3A_41 = arith.constant 1 : index
    %get3A_42 = arith.constant 0 : index
    %get3A_43 = arith.constant 0 : index
    %get3A_44 = vector.load %arg5[%get3A_40, %get3A_41, %get3A_42, %get3A_43] : memref<2x2x128x128xf32, #tpu.memory_space<vmem>>, vector<1x1x128x128xf32>
    %get3A_45 = vector.shape_cast %get3A_44 : vector<1x1x128x128xf32> to vector<128x128xf32>
    %convert_element_type3A_46 = arith.truncf %get3A_45 : vector<128x128xf32> to vector<128x128xbf16>
    %dot_general3A_47 = arith.constant dense<0.000000e+00> : vector<12800x128xf32>
    %dot_general3A_48 = tpu.matmul %mul3A_39, %convert_element_type3A_46, %dot_general3A_47 {dimension_numbers = #tpu.dot_dimension_numbers<[1], [0], [0], [1], [0, 0, 1, 1], [], []>, transpose_lhs_hint = false} : vector<12800x128xbf16>, vector<128x128xbf16>, vector<12800x128xf32> -> vector<12800x128xf32>
    %convert_element_type3A_49 = arith.truncf %dot_general3A_48 : vector<12800x128xf32> to vector<12800x128xbf16>
    %logistic3A_50 = arith.negf %convert_element_type3A_49 : vector<12800x128xbf16>
    %logistic3A_51 = math.exp %logistic3A_50 : vector<12800x128xbf16>
    %logistic3A_52 = arith.constant 1.000000e+00 : bf16
    %logistic3A_53 = vector.broadcast %logistic3A_52 : bf16 to vector<12800x128xbf16>
    %logistic3A_54 = arith.addf %logistic3A_53, %logistic3A_51 : vector<12800x128xbf16>
    %logistic3A_55 = arith.divf %logistic3A_53, %logistic3A_54 : vector<12800x128xbf16>
    %mul3A_56 = arith.mulf %convert_element_type3A_49, %logistic3A_55 : vector<12800x128xbf16>
    %add3A = arith.addf %mul3A, %mul3A_56 : vector<12800x128xbf16>
    %mul3A_57 = arith.constant 7.070310e-01 : bf16
    %mul3A_58 = vector.broadcast %mul3A_57 : bf16 to vector<12800x128xbf16>
    %mul3A_59 = arith.mulf %add3A, %mul3A_58 : vector<12800x128xbf16>
    %get3A_60 = arith.constant 1 : index
    %get3A_61 = arith.constant 0 : index
    %get3A_62 = arith.constant 0 : index
    %get3A_63 = arith.constant 0 : index
    %get3A_64 = vector.load %arg5[%get3A_60, %get3A_61, %get3A_62, %get3A_63] : memref<2x2x128x128xf32, #tpu.memory_space<vmem>>, vector<1x1x128x128xf32>
    %get3A_65 = vector.shape_cast %get3A_64 : vector<1x1x128x128xf32> to vector<128x128xf32>
    %convert_element_type3A_66 = arith.truncf %get3A_65 : vector<128x128xf32> to vector<128x128xbf16>
    %dot_general3A_67 = arith.constant dense<0.000000e+00> : vector<12800x128xf32>
    %dot_general3A_68 = tpu.matmul %mul3A_59, %convert_element_type3A_66, %dot_general3A_67 {dimension_numbers = #tpu.dot_dimension_numbers<[1], [0], [0], [1], [0, 0, 1, 1], [], []>, transpose_lhs_hint = false} : vector<12800x128xbf16>, vector<128x128xbf16>, vector<12800x128xf32> -> vector<12800x128xf32>
    %convert_element_type3A_69 = arith.truncf %dot_general3A_68 : vector<12800x128xf32> to vector<12800x128xbf16>
    %logistic3A_70 = arith.negf %convert_element_type3A_69 : vector<12800x128xbf16>
    %logistic3A_71 = math.exp %logistic3A_70 : vector<12800x128xbf16>
    %logistic3A_72 = arith.constant 1.000000e+00 : bf16
    %logistic3A_73 = vector.broadcast %logistic3A_72 : bf16 to vector<12800x128xbf16>
    %logistic3A_74 = arith.addf %logistic3A_73, %logistic3A_71 : vector<12800x128xbf16>
    %logistic3A_75 = arith.divf %logistic3A_73, %logistic3A_74 : vector<12800x128xbf16>
    %mul3A_76 = arith.mulf %convert_element_type3A_69, %logistic3A_75 : vector<12800x128xbf16>
    %get3A_77 = arith.constant 1 : index
    %get3A_78 = arith.constant 1 : index
    %get3A_79 = arith.constant 0 : index
    %get3A_80 = arith.constant 0 : index
    %get3A_81 = vector.load %arg5[%get3A_77, %get3A_78, %get3A_79, %get3A_80] : memref<2x2x128x128xf32, #tpu.memory_space<vmem>>, vector<1x1x128x128xf32>
    %get3A_82 = vector.shape_cast %get3A_81 : vector<1x1x128x128xf32> to vector<128x128xf32>
    %convert_element_type3A_83 = arith.truncf %get3A_82 : vector<128x128xf32> to vector<128x128xbf16>
    %dot_general3A_84 = arith.constant dense<0.000000e+00> : vector<12800x128xf32>
    %dot_general3A_85 = tpu.matmul %mul3A_76, %convert_element_type3A_83, %dot_general3A_84 {dimension_numbers = #tpu.dot_dimension_numbers<[1], [0], [0], [1], [0, 0, 1, 1], [], []>, transpose_lhs_hint = false} : vector<12800x128xbf16>, vector<128x128xbf16>, vector<12800x128xf32> -> vector<12800x128xf32>
    %convert_element_type3A_86 = arith.truncf %dot_general3A_85 : vector<12800x128xf32> to vector<12800x128xbf16>
    %logistic3A_87 = arith.negf %convert_element_type3A_86 : vector<12800x128xbf16>
    %logistic3A_88 = math.exp %logistic3A_87 : vector<12800x128xbf16>
    %logistic3A_89 = arith.constant 1.000000e+00 : bf16
    %logistic3A_90 = vector.broadcast %logistic3A_89 : bf16 to vector<12800x128xbf16>
    %logistic3A_91 = arith.addf %logistic3A_90, %logistic3A_88 : vector<12800x128xbf16>
    %logistic3A_92 = arith.divf %logistic3A_90, %logistic3A_91 : vector<12800x128xbf16>
    %mul3A_93 = arith.mulf %convert_element_type3A_86, %logistic3A_92 : vector<12800x128xbf16>
    %add3A_94 = arith.addf %mul3A_59, %mul3A_93 : vector<12800x128xbf16>
    %mul3A_95 = arith.constant 7.070310e-01 : bf16
    %mul3A_96 = vector.broadcast %mul3A_95 : bf16 to vector<12800x128xbf16>
    %mul3A_97 = arith.mulf %add3A_94, %mul3A_96 : vector<12800x128xbf16>
    %convert_element_type3A_98 = arith.extf %mul3A_97 : vector<12800x128xbf16> to vector<12800x128xf32>
    %mul3A_99 = arith.mulf %convert_element_type3A_98, %dot_general3A_9 : vector<12800x128xf32>
    %get3A_100 = arith.constant 0 : index
    %get3A_101 = arith.constant 0 : index
    %get3A_102 = vector.load %arg6[%get3A_100, %get3A_101] : memref<1x128xf32, #tpu.memory_space<vmem>>, vector<1x128xf32>
    %dot_general3A_103 = arith.constant dense<0.000000e+00> : vector<1x12800xf32>
    %dot_general3A_104 = tpu.matmul %get3A_102, %mul3A_99, %dot_general3A_103 {dimension_numbers = #tpu.dot_dimension_numbers<[1], [1], [0], [0], [0, 0, 1, 0], [], []>, transpose_lhs_hint = false} : vector<1x128xf32>, vector<12800x128xf32>, vector<1x12800xf32> -> vector<1x12800xf32>
    %reshape3A = vector.shape_cast %dot_general3A_104 : vector<1x12800xf32> to vector<1x1x12800xf32>
    %swap3A = arith.constant 0 : index
    %swap3A_105 = arith.constant 0 : index
    %swap3A_106 = arith.constant 0 : index
    %swap3A_107 = vector.load %arg7[%swap3A, %swap3A_105, %swap3A_106] : memref<1x1x12800xf32, #tpu.memory_space<vmem>>, vector<1x1x12800xf32>
    tpu.vector_store %arg7[%swap3A, %swap3A_105, %swap3A_106], %reshape3A {strides = array<i32>} : memref<1x1x12800xf32, #tpu.memory_space<vmem>>, vector<1x1x12800xf32>,
    return
  }
  func.func @transform_0(%arg0: i32) -> (i32, i32) {
    %c0_i32 = arith.constant 0 : i32
    %c0_i32_0 = arith.constant 0 : i32
    return %arg0, %c0_i32 : i32, i32
  }
  func.func @transform_1(%arg0: i32) -> (i32, i32) {
    %c0_i32 = arith.constant 0 : i32
    %c0_i32_0 = arith.constant 0 : i32
    return %c0_i32, %arg0 : i32, i32
  }
  func.func @transform_2(%arg0: i32) -> (i32, i32) {
    %c0_i32 = arith.constant 0 : i32
    %c0_i32_0 = arith.constant 0 : i32
    %c0_i32_1 = arith.constant 0 : i32
    return %c0_i32, %c0_i32_0 : i32, i32
  }
  func.func @transform_3(%arg0: i32) -> (i32, i32) {
    %c0_i32 = arith.constant 0 : i32
    %c0_i32_0 = arith.constant 0 : i32
    %c0_i32_1 = arith.constant 0 : i32
    return %c0_i32, %c0_i32_0 : i32, i32
  }
  func.func @transform_4(%arg0: i32) -> (i32, i32, i32, i32) {
    %c0_i32 = arith.constant 0 : i32
    %c0_i32_0 = arith.constant 0 : i32
    %c0_i32_1 = arith.constant 0 : i32
    %c0_i32_2 = arith.constant 0 : i32
    %c0_i32_3 = arith.constant 0 : i32
    return %c0_i32, %c0_i32_0, %c0_i32_1, %c0_i32_2 : i32, i32, i32, i32
  }
  func.func @transform_5(%arg0: i32) -> (i32, i32) {
    %c0_i32 = arith.constant 0 : i32
    %c0_i32_0 = arith.constant 0 : i32
    %c0_i32_1 = arith.constant 0 : i32
    return %c0_i32, %c0_i32_0 : i32, i32
  }
  func.func @transform_6(%arg0: i32) -> (i32, i32, i32) {
    %c0_i32 = arith.constant 0 : i32
    %c0_i32_0 = arith.constant 0 : i32
    %c0_i32_1 = arith.constant 0 : i32
    return %arg0, %c0_i32, %c0_i32_0 : i32, i32, i32
  }
}

module attributes {stable_mosaic.version = 14 : i64} {
  func.func @_atom_body(%arg0: memref<2x5000x128xf32, #tpu.memory_space<vmem>>, %arg1: memref<128x128xf32, #tpu.memory_space<vmem>>, %arg2: memref<2x2x128x128xf32, #tpu.memory_space<vmem>>, %arg3: memref<128x1xf32, #tpu.memory_space<vmem>>, %arg4: memref<10000x1xf32, #tpu.memory_space<vmem>>) attributes {dimension_semantics = [], scalar_prefetch = 0 : i64, scratch_operands = 0 : i64, tpu.core_type = #tpu.core_type<tc>} {
    %get3A = arith.constant 0 : index
    %get3A_0 = arith.constant 0 : index
    %get3A_1 = arith.constant 0 : index
    %get3A_2 = vector.load %arg0[%get3A, %get3A_0, %get3A_1] : memref<2x5000x128xf32, #tpu.memory_space<vmem>>, vector<1x5000x128xf32>
    %get3A_3 = vector.shape_cast %get3A_2 : vector<1x5000x128xf32> to vector<5000x128xf32>
    %get3A_4 = arith.constant 1 : index
    %get3A_5 = arith.constant 0 : index
    %get3A_6 = arith.constant 0 : index
    %get3A_7 = vector.load %arg0[%get3A_4, %get3A_5, %get3A_6] : memref<2x5000x128xf32, #tpu.memory_space<vmem>>, vector<1x5000x128xf32>
    %get3A_8 = vector.shape_cast %get3A_7 : vector<1x5000x128xf32> to vector<5000x128xf32>
    %concatenate3A = tpu.concatenate %get3A_3, %get3A_8 in 0 : vector<5000x128xf32>, vector<5000x128xf32> -> vector<10000x128xf32>
    %get3A_9 = arith.constant 0 : index
    %get3A_10 = arith.constant 0 : index
    %get3A_11 = vector.load %arg1[%get3A_9, %get3A_10] : memref<128x128xf32, #tpu.memory_space<vmem>>, vector<128x128xf32>
    %convert_element_type3A = arith.truncf %concatenate3A : vector<10000x128xf32> to vector<10000x128xbf16>
    %convert_element_type3A_12 = arith.truncf %get3A_11 : vector<128x128xf32> to vector<128x128xbf16>
    %dot_general3A = arith.constant dense<0.000000e+00> : vector<10000x128xf32>
    %dot_general3A_13 = tpu.matmul %convert_element_type3A, %convert_element_type3A_12, %dot_general3A {dimension_numbers = #tpu.dot_dimension_numbers<[1], [0], [0], [1], [0, 0, 1, 1], [], []>, transpose_lhs_hint = false} : vector<10000x128xbf16>, vector<128x128xbf16>, vector<10000x128xf32> -> vector<10000x128xf32>
    %logistic3A = arith.negf %dot_general3A_13 : vector<10000x128xf32>
    %logistic3A_14 = math.exp %logistic3A : vector<10000x128xf32>
    %logistic3A_15 = arith.constant 1.000000e+00 : f32
    %logistic3A_16 = vector.broadcast %logistic3A_15 : f32 to vector<10000x128xf32>
    %logistic3A_17 = arith.addf %logistic3A_16, %logistic3A_14 : vector<10000x128xf32>
    %logistic3A_18 = arith.divf %logistic3A_16, %logistic3A_17 : vector<10000x128xf32>
    %mul3A = arith.mulf %dot_general3A_13, %logistic3A_18 : vector<10000x128xf32>
    %get3A_19 = arith.constant 0 : index
    %get3A_20 = arith.constant 0 : index
    %get3A_21 = arith.constant 0 : index
    %get3A_22 = arith.constant 0 : index
    %get3A_23 = vector.load %arg2[%get3A_19, %get3A_20, %get3A_21, %get3A_22] : memref<2x2x128x128xf32, #tpu.memory_space<vmem>>, vector<1x1x128x128xf32>
    %get3A_24 = vector.shape_cast %get3A_23 : vector<1x1x128x128xf32> to vector<128x128xf32>
    %convert_element_type3A_25 = arith.truncf %mul3A : vector<10000x128xf32> to vector<10000x128xbf16>
    %convert_element_type3A_26 = arith.truncf %get3A_24 : vector<128x128xf32> to vector<128x128xbf16>
    %dot_general3A_27 = arith.constant dense<0.000000e+00> : vector<10000x128xf32>
    %dot_general3A_28 = tpu.matmul %convert_element_type3A_25, %convert_element_type3A_26, %dot_general3A_27 {dimension_numbers = #tpu.dot_dimension_numbers<[1], [0], [0], [1], [0, 0, 1, 1], [], []>, transpose_lhs_hint = false} : vector<10000x128xbf16>, vector<128x128xbf16>, vector<10000x128xf32> -> vector<10000x128xf32>
    %logistic3A_29 = arith.negf %dot_general3A_28 : vector<10000x128xf32>
    %logistic3A_30 = math.exp %logistic3A_29 : vector<10000x128xf32>
    %logistic3A_31 = arith.constant 1.000000e+00 : f32
    %logistic3A_32 = vector.broadcast %logistic3A_31 : f32 to vector<10000x128xf32>
    %logistic3A_33 = arith.addf %logistic3A_32, %logistic3A_30 : vector<10000x128xf32>
    %logistic3A_34 = arith.divf %logistic3A_32, %logistic3A_33 : vector<10000x128xf32>
    %mul3A_35 = arith.mulf %dot_general3A_28, %logistic3A_34 : vector<10000x128xf32>
    %get3A_36 = arith.constant 0 : index
    %get3A_37 = arith.constant 1 : index
    %get3A_38 = arith.constant 0 : index
    %get3A_39 = arith.constant 0 : index
    %get3A_40 = vector.load %arg2[%get3A_36, %get3A_37, %get3A_38, %get3A_39] : memref<2x2x128x128xf32, #tpu.memory_space<vmem>>, vector<1x1x128x128xf32>
    %get3A_41 = vector.shape_cast %get3A_40 : vector<1x1x128x128xf32> to vector<128x128xf32>
    %convert_element_type3A_42 = arith.truncf %mul3A_35 : vector<10000x128xf32> to vector<10000x128xbf16>
    %convert_element_type3A_43 = arith.truncf %get3A_41 : vector<128x128xf32> to vector<128x128xbf16>
    %dot_general3A_44 = arith.constant dense<0.000000e+00> : vector<10000x128xf32>
    %dot_general3A_45 = tpu.matmul %convert_element_type3A_42, %convert_element_type3A_43, %dot_general3A_44 {dimension_numbers = #tpu.dot_dimension_numbers<[1], [0], [0], [1], [0, 0, 1, 1], [], []>, transpose_lhs_hint = false} : vector<10000x128xbf16>, vector<128x128xbf16>, vector<10000x128xf32> -> vector<10000x128xf32>
    %logistic3A_46 = arith.negf %dot_general3A_45 : vector<10000x128xf32>
    %logistic3A_47 = math.exp %logistic3A_46 : vector<10000x128xf32>
    %logistic3A_48 = arith.constant 1.000000e+00 : f32
    %logistic3A_49 = vector.broadcast %logistic3A_48 : f32 to vector<10000x128xf32>
    %logistic3A_50 = arith.addf %logistic3A_49, %logistic3A_47 : vector<10000x128xf32>
    %logistic3A_51 = arith.divf %logistic3A_49, %logistic3A_50 : vector<10000x128xf32>
    %mul3A_52 = arith.mulf %dot_general3A_45, %logistic3A_51 : vector<10000x128xf32>
    %add3A = arith.addf %mul3A, %mul3A_52 : vector<10000x128xf32>
    %mul3A_53 = arith.constant 0.707106769 : f32
    %mul3A_54 = vector.broadcast %mul3A_53 : f32 to vector<10000x128xf32>
    %mul3A_55 = arith.mulf %add3A, %mul3A_54 : vector<10000x128xf32>
    %get3A_56 = arith.constant 1 : index
    %get3A_57 = arith.constant 0 : index
    %get3A_58 = arith.constant 0 : index
    %get3A_59 = arith.constant 0 : index
    %get3A_60 = vector.load %arg2[%get3A_56, %get3A_57, %get3A_58, %get3A_59] : memref<2x2x128x128xf32, #tpu.memory_space<vmem>>, vector<1x1x128x128xf32>
    %get3A_61 = vector.shape_cast %get3A_60 : vector<1x1x128x128xf32> to vector<128x128xf32>
    %convert_element_type3A_62 = arith.truncf %mul3A_55 : vector<10000x128xf32> to vector<10000x128xbf16>
    %convert_element_type3A_63 = arith.truncf %get3A_61 : vector<128x128xf32> to vector<128x128xbf16>
    %dot_general3A_64 = arith.constant dense<0.000000e+00> : vector<10000x128xf32>
    %dot_general3A_65 = tpu.matmul %convert_element_type3A_62, %convert_element_type3A_63, %dot_general3A_64 {dimension_numbers = #tpu.dot_dimension_numbers<[1], [0], [0], [1], [0, 0, 1, 1], [], []>, transpose_lhs_hint = false} : vector<10000x128xbf16>, vector<128x128xbf16>, vector<10000x128xf32> -> vector<10000x128xf32>
    %logistic3A_66 = arith.negf %dot_general3A_65 : vector<10000x128xf32>
    %logistic3A_67 = math.exp %logistic3A_66 : vector<10000x128xf32>
    %logistic3A_68 = arith.constant 1.000000e+00 : f32
    %logistic3A_69 = vector.broadcast %logistic3A_68 : f32 to vector<10000x128xf32>
    %logistic3A_70 = arith.addf %logistic3A_69, %logistic3A_67 : vector<10000x128xf32>
    %logistic3A_71 = arith.divf %logistic3A_69, %logistic3A_70 : vector<10000x128xf32>
    %mul3A_72 = arith.mulf %dot_general3A_65, %logistic3A_71 : vector<10000x128xf32>
    %get3A_73 = arith.constant 1 : index
    %get3A_74 = arith.constant 1 : index
    %get3A_75 = arith.constant 0 : index
    %get3A_76 = arith.constant 0 : index
    %get3A_77 = vector.load %arg2[%get3A_73, %get3A_74, %get3A_75, %get3A_76] : memref<2x2x128x128xf32, #tpu.memory_space<vmem>>, vector<1x1x128x128xf32>
    %get3A_78 = vector.shape_cast %get3A_77 : vector<1x1x128x128xf32> to vector<128x128xf32>
    %convert_element_type3A_79 = arith.truncf %mul3A_72 : vector<10000x128xf32> to vector<10000x128xbf16>
    %convert_element_type3A_80 = arith.truncf %get3A_78 : vector<128x128xf32> to vector<128x128xbf16>
    %dot_general3A_81 = arith.constant dense<0.000000e+00> : vector<10000x128xf32>
    %dot_general3A_82 = tpu.matmul %convert_element_type3A_79, %convert_element_type3A_80, %dot_general3A_81 {dimension_numbers = #tpu.dot_dimension_numbers<[1], [0], [0], [1], [0, 0, 1, 1], [], []>, transpose_lhs_hint = false} : vector<10000x128xbf16>, vector<128x128xbf16>, vector<10000x128xf32> -> vector<10000x128xf32>
    %logistic3A_83 = arith.negf %dot_general3A_82 : vector<10000x128xf32>
    %logistic3A_84 = math.exp %logistic3A_83 : vector<10000x128xf32>
    %logistic3A_85 = arith.constant 1.000000e+00 : f32
    %logistic3A_86 = vector.broadcast %logistic3A_85 : f32 to vector<10000x128xf32>
    %logistic3A_87 = arith.addf %logistic3A_86, %logistic3A_84 : vector<10000x128xf32>
    %logistic3A_88 = arith.divf %logistic3A_86, %logistic3A_87 : vector<10000x128xf32>
    %mul3A_89 = arith.mulf %dot_general3A_82, %logistic3A_88 : vector<10000x128xf32>
    %add3A_90 = arith.addf %mul3A_55, %mul3A_89 : vector<10000x128xf32>
    %mul3A_91 = arith.constant 0.707106769 : f32
    %mul3A_92 = vector.broadcast %mul3A_91 : f32 to vector<10000x128xf32>
    %mul3A_93 = arith.mulf %add3A_90, %mul3A_92 : vector<10000x128xf32>
    %get3A_94 = arith.constant 0 : index
    %get3A_95 = arith.constant 0 : index
    %get3A_96 = vector.load %arg3[%get3A_94, %get3A_95] : memref<128x1xf32, #tpu.memory_space<vmem>>, vector<128x1xf32>
    %dot_general3A_97 = arith.constant dense<0.000000e+00> : vector<10000x1xf32>
    %dot_general3A_98 = tpu.matmul %mul3A_93, %get3A_96, %dot_general3A_97 {dimension_numbers = #tpu.dot_dimension_numbers<[1], [0], [0], [1], [0, 0, 1, 1], [], []>, transpose_lhs_hint = false} : vector<10000x128xf32>, vector<128x1xf32>, vector<10000x1xf32> -> vector<10000x1xf32>
    %swap3A = arith.constant 0 : index
    %swap3A_99 = arith.constant 0 : index
    %swap3A_100 = vector.load %arg4[%swap3A, %swap3A_99] : memref<10000x1xf32, #tpu.memory_space<vmem>>, vector<10000x1xf32>
    tpu.vector_store %arg4[%swap3A, %swap3A_99], %dot_general3A_98 {strides = array<i32>} : memref<10000x1xf32, #tpu.memory_space<vmem>>, vector<10000x1xf32>,
    return
  }
}

</mosaic_0001>

<sc_bundles>
// kernel: kernel.6.cloned.1.call-start
scs
__scs_entry_jumppad:
0x0: {  	(pc) =	sbr.rel $0x88, $3  }
0x1: {  	(tag) =	ssettag $0x0;
	lr =	simm.s32 $0x1  }
0x2: {  	[smem:$0x3F94] =	sst lr;
	_ =	strace $0xD0000000  }
0x3: {  	_ = 	snop  }
0x4: {  	_ = 	snop  }
0x5: {  	_ = 	snop  }
0x6: {  	_ = 	snop  }
0x7: {  	_ = 	snop  }
__scs_overlays_trampoline_lowered:
0x8: {  	[smem:$0x3FA3] =	sst s0  }
0x9: {  	[smem:$0x3FA4] =	sst s1  }
0xa: {  	[smem:$0x3FA5] =	sst s2  }
0xb: {  	[smem:$0x3FA6] =	sst s3  }
0xc: {  	[smem:$0x3FA7] =	sst s4  }
0xd: {  	[smem:$0x3FA8] =	sst s5  }
0xe: {  	[smem:$0x3FA9] =	sst s6  }
0xf: {  	[smem:$0x3FAA] =	sst s7  }
0x10: {  	[smem:$0x3FAB] =	sst s8  }
0x11: {  	[smem:$0x3FAC] =	sst s9;
	s0 =	simm.s32 @!p0 $0x0  }
0x12: {  	s1 =	sld [smem:$0x3F92];
	s0 =	simm.s32 @p0 $0x1  }
0x13: {  	[smem:$0x3FAD] =	sst s0;
	s0 =	simm.s32 @!p1 $0x0  }
0x14: {  	s2 =	sld [smem:$0x3F91];
	s0 =	simm.s32 @p1 $0x1  }
0x15: {  	[smem:$0x3FAE] =	sst s0;
	s0 =	simm.s32 @!p2 $0x0  }
0x16: {  	s3 =	sld [smem:$0x3FDB];
	s0 =	simm.s32 @p2 $0x1  }
0x17: {  	s4 =	simm.s32 $0x1BF5;
	[smem:$0x3FB0] =	sst s0  }
0x18: {  	s0 =	sld [smem:$0x3F93];
	_ =	swait.ge [sflag:s4], $0x0  }
0x19: {  	s7 =	sld [smem:$0x3F94]  }
0x1a: {  	s8 =	sadd.s32 $0xFFFFE003, lr  }
0x1b: {  	s9 =	sadd.s32 $0xFFFFFEF7, lr;
	s5 =	simm.s32 $0xFFFFFFFF;
	p2 =	slt.u32 s8, $0xFFFFF086  }
0x1c: {  	p1 =	slt.u32 s9, $0xF7A;
	s5 =	simm.s32 @!p2 $0x0  }
0x1d: {  	s5 =	simm.s32 @p1 $0x1;
	p0 =	seq.s32 s7, s2  }
0x1e: {  	s7 =	smul.u32 @!p0 $0xF7A, s2;
	p2 =	seq.s32 @!p0 s5, $0x0  }
0x1f: {  	s9 =	smul.u32 $0xF7A, s1;
	s8 =	simm.s32 @!p0 $0x1BF5;
	p2 =	por !p2, p0  }
0x20: {  	[sflag:s8] =	ssyncset.s32 @!p0 $0xFFFFF086;
	s6 =	sadd.s32 @!p0 s3, s7;
	s7 =	simm.s32 @!p0 $0x108  }
0x21: {  	s3 =	sadd.s32 s3, s9;
	s6 =	sadd.s32 @!p0 $0x88, s6;
	s7 =	simm.s32 @p2 $0x1082  }
0x22: {  	[simem:s7], [sflag:s8] =	dma.local @!p0 [hbm:s6], $0xF7A  }
0x23: {  	s9 =	sor.u32 $0xD0000000, s2;
	s6 =	simm.s32 $0x108;
	_ =	swait.ge @!p0 [sflag:s8], $0x0  }
0x24: {  	s3 =	sadd.s32 $0x88, s3;
	s6 =	simm.s32 @!p1 $0x1082;
	[sflag:s4] =	ssyncset.s32 $0xFFFFF086  }
0x25: {  	[simem:s6], [sflag:s4] =	dma.local [hbm:s3], $0xF7A  }
0x26: {  	[smem:$0x3F94] =	sst s1;
	(tag) =	ssettag s2;
	_ =	strace s9  }
0x27: {  	s1 =	sld [smem:$0x3FA4]  }
0x28: {  	s2 =	sld [smem:$0x3FA5]  }
0x29: {  	s4 =	sld [smem:$0x3FA7]  }
0x2a: {  	p0 =	seq.s32 s5, $0x0;
	s5 =	sld [smem:$0x3FA8]  }
0x2b: {  	s6 =	sld [smem:$0x3FA9]  }
0x2c: {  	s7 =	sld [smem:$0x3FAA]  }
0x2d: {  	s3 =	simm.s32 $0x108;
	s8 =	sld [smem:$0x3FAB]  }
0x2e: {  	s3 =	simm.s32 @!p0 $0x1082;
	s9 =	sld [smem:$0x3FAC]  }
0x2f: {  	lr =	sadd.s32 s0, s3;
	s0 =	sld [smem:$0x3FA3]  }
0x30: {  	s3 =	sld [smem:$0x3FA6]  }
0x31: {  	[smem:$0x3FAF] =	sst s10  }
0x32: {  	s10 =	sld [smem:$0x3FAD];
	_ =	sdelay $0x3  }
0x33: {  	p0 =	seq.s32 s10, $0x1;
	s10 =	sld [smem:$0x3FAF];
	_ =	sdelay $0x3  }
0x34: {  	[smem:$0x3FAF] =	sst s10  }
0x35: {  	s10 =	sld [smem:$0x3FAE];
	_ =	sdelay $0x3  }
0x36: {  	p1 =	seq.s32 s10, $0x1;
	s10 =	sld [smem:$0x3FAF];
	_ =	sdelay $0x3  }
0x37: {  	[smem:$0x3FAF] =	sst s10  }
0x38: {  	s10 =	sld [smem:$0x3FB0]  }
0x39: {  	_ = 	snop;
	(pc) =	sbr.ind lr, $3  }
0x3a: {  	_ = 	snop  }
0x3b: {  	_ = 	snop  }
0x3c: {  	p2 =	seq.s32 s10, $0x1;
	s10 =	sld [smem:$0x3FAF]  }
0x3d: {  	_ =	shalt  }
0x3e: {  	_ =	shalt  }
0x3f: {  	_ =	shalt  }
0x40: {  	_ =	shalt  }
0x41: {  	_ =	shalt  }
0x42: {  	_ =	shalt  }
0x43: {  	_ =	shalt  }
0x44: {  	_ =	shalt  }
0x45: {  	_ =	shalt  }
0x46: {  	_ =	shalt  }
0x47: {  	_ =	shalt  }
0x48: {  	_ =	shalt  }
0x49: {  	_ =	shalt  }
0x4a: {  	_ =	shalt  }
0x4b: {  	_ =	shalt  }
0x4c: {  	_ =	shalt  }
0x4d: {  	_ =	shalt  }
0x4e: {  	_ =	shalt  }
0x4f: {  	_ =	shalt  }
0x50: {  	_ =	shalt  }
0x51: {  	_ =	shalt  }
0x52: {  	_ =	shalt  }
0x53: {  	_ =	shalt  }
0x54: {  	_ =	shalt  }
0x55: {  	_ =	shalt  }
0x56: {  	_ =	shalt  }
0x57: {  	_ =	shalt  }
0x58: {  	_ =	shalt  }
0x59: {  	_ =	shalt  }
0x5a: {  	_ =	shalt  }
0x5b: {  	_ =	shalt  }
0x5c: {  	_ =	shalt  }
0x5d: {  	_ =	shalt  }
0x5e: {  	_ =	shalt  }
0x5f: {  	_ =	shalt  }
0x60: {  	_ =	shalt  }
0x61: {  	_ =	shalt  }
0x62: {  	_ =	shalt  }
0x63: {  	_ =	shalt  }
0x64: {  	_ =	shalt  }
0x65: {  	_ =	shalt  }
0x66: {  	_ =	shalt  }
0x67: {  	_ =	shalt  }
0x68: {  	_ =	shalt  }
0x69: {  	_ =	shalt  }
0x6a: {  	_ =	shalt  }
0x6b: {  	_ =	shalt  }
0x6c: {  	_ =	shalt  }
0x6d: {  	_ =	shalt  }
0x6e: {  	_ =	shalt  }
0x6f: {  	_ =	shalt  }
0x70: {  	_ =	shalt  }
0x71: {  	_ =	shalt  }
0x72: {  	_ =	shalt  }
0x73: {  	_ =	shalt  }
0x74: {  	_ =	shalt  }
0x75: {  	_ =	shalt  }
0x76: {  	_ =	shalt  }
0x77: {  	_ =	shalt  }
0x78: {  	_ =	shalt  }
0x79: {  	_ =	shalt  }
0x7a: {  	_ =	shalt  }
0x7b: {  	_ =	shalt  }
0x7c: {  	_ =	shalt  }
0x7d: {  	_ =	shalt  }
0x7e: {  	_ =	shalt  }
0x7f: {  	_ =	shalt  }
0x80: {  	_ =	shalt  }
0x81: {  	_ =	shalt  }
0x82: {  	_ =	shalt  }
0x83: {  	_ =	shalt  }
0x84: {  	_ =	shalt  }
0x85: {  	_ =	shalt  }
0x86: {  	_ =	shalt  }
0x87: {  	_ =	shalt  }
.Lfunc_end0:
.L_simem_size_0:
called_computation_lowered:
.L_overlay_start_0:
0x88: {  	s2 =	sld [smem:$0x3FD9]  }
0x89: {  	s3 =	sld [smem:$0x3FFE];
	_ =	sdelay $0x1  }
0x8a: {  	s1 =	srdreg.scid  }
0x8b: {  	s0 =	sand.u32 $0x1, s1  }
0x8c: {  	s16 =	sshll.u32 s0, $0xA;
	s2 =	sadd.s32 s3, s2  }
0x8d: {  	s2 =	sadd.s32 s2, s16  }
0x8e: {  	[smem:$0x3FBB] =	sst s2  }
0x8f: {  	_ = 	snop  }
0x90: {  	(tm) =	ssettm $0x1  }
0x91: {  	s17 =	sld [smem:$0x3FFB];
	_ =	sdelay $0x3  }
0x92: {  	_ =	strace s17  }
0x93: {  	s2 =	sld [smem:$0x3FFC];
	_ =	sdelay $0x3  }
0x94: {  	_ =	strace s2  }
0x95: {  	s2 =	sld [smem:$0x3FFD];
	_ =	sdelay $0x3  }
0x96: {  	_ =	strace s2  }
0x97: {  	_ =	strace $0x8FFFFFFF  }
0x98: {  	s18 =	sld [smem:$0x3FDB];
	_ =	sdelay $0x1  }
0x99: {  	s19 =	simm.s32 $_scs_section_size  }
0x9a: {  	s4 =	simm.s32 $_size__tile_overlayer_lowered;
	s5 =	simm.s32 $_tile_overlayer_lowered  }
0x9b: {  	s22 =	simm.s32 $0x1BFF;
	s21 =	sshll.u32 s5, $0x1;
	s2 =	sadd.s32 s19, s18  }
0x9c: {  	s6 =	simm.s32 $0x0;
	s20 =	sshll.u32 s4, $0x1;
	s4 =	sadd.s32 s21, s2  }
0x9d: {  	[timem:s6], [sflag:s22] =	dma.local [hbm:s4], s20  }
0x9e: {  	_ =	swait.ge [sflag:s22], s20  }
0x9f: {  	s3 =	ssub.s32 $0x0, s20;
	[sflag:s22] =	ssyncset.done $0x0  }
0xa0: {  	[sflag:s22] =	ssyncadd.s32 s3;
	_ =	sdelay $0x1  }
0xa1: {  	s23 =	simm.s32 $0x1B8B  }
0xa2: {  	_ =	swait.ge [sflag:s23], $0x1  }
0xa3: {  	[sflag:s23] =	ssyncset.done $0x0  }
0xa4: {  	s25 =	simm.s32 $0x1B8E;
	s24 =	sld [smem:$0x3FFE];
	[sflag:s23] =	ssyncadd.s32 $0xFFFFFFFF  }
0xa5: {  	s26 =	simm.s32 $execute0_lowered;
	[smem:$0x3FD2] =	sst s25  }
0xa6: {  	s4 =	sshll.u32 s26, $0x1;
	_ =	strace $0x80000046;
	[dreg:$0x1] =	wrdreg $0xFFFFFFFF  }
0xa7: {  	s28 =	simm.s32 $_size_execute0_lowered;
	s2 =	sadd.s32 s2, s4;
	[dreg:$0x0] =	wrdreg $0x0  }
0xa8: {  	s4 =	sshll.u32 s28, $0x1;
	[dreg:$0x2] =	wrdreg s2  }
0xa9: {  	[dreg:$0x3] =	wrdreg s4  }
0xaa: {  	[dreg:$0x4] =	wrdreg $0xC0  }
0xab: {  	_ =	task [dreg:s6], $0x5FFFF  }
0xac: {  	[dreg:$0x1] =	wrdreg $0xFFFFFFFF  }
0xad: {  	[dreg:$0x0] =	wrdreg $0x60  }
0xae: {  	[dreg:$0x2] =	wrdreg s24  }
0xaf: {  	[dreg:$0x3] =	wrdreg $0x102000  }
0xb0: {  	[dreg:$0x4] =	wrdreg $0x9  }
0xb1: {  	_ =	task.clear_ibuf [dreg:s6], $0x5FFFF;
	_ =	strace $0x90000046  }
0xb2: {  	s29 =	simm.s32 $0x9;
	_ =	strace $0x80000048  }
0xb3: {  	_ =	swait.ge [sflag:s29], $0x1  }
0xb4: {  	[sflag:s29] =	ssyncadd.s32 $0xFFFFFFFF  }
0xb5: {  	_ =	strace $0x90000048  }
0xb6: {  	_ =	sfence  }
0xb7: {  	s30 =	sld [smem:$0x0];
	_ =	sdelay $0x2  }
0xb8: {  	s31 =	sshll.u32 s1, $0xD;
	s1 =	sshrl.u32 s1, $0x2  }
0xb9: {  	s3 =	sand.u32 $0x4000, s31;
	s1 =	sadd.s32 s1, s30  }
0xba: {  	s0 =	sor.u32 s3, s0;
	s1 =	sshll.u32 s1, $0x11  }
0xbb: {  	s0 =	sor.u32 s1, s0  }
0xbc: {  	s0 =	sadd.s32 $0x8F2B, s0  }
0xbd: {  	[sflag:s0] =	ssyncadd.remote.s32 $0x1  }
0xbe: {  	_ =	sfence.sel $0xFFFF  }
0xbf: {  	[dreg:$0x0] =	wrdreg $0xFFFFFFFF;
	(pc) =	sbr.abs _section_cstart, $3  }
0xc0: {  	[dreg:$0x1] =	wrdreg $0xFFFFFFFF  }
0xc1: {  	_ =	task.clear_ibuf [dreg:s6], $0x2FFFF;
	_ =	strace $0x9FFFFFFF  }
0xc2: {  	(tm) =	ssettm $0x7FFFFFFF  }
0xc3: {  	_ =	shalt  }
tec
execute0_lowered:
.L_overlay_start_1:
0x0: {  	(tag) =	ssettag $0x1  }
0x1: {  	s5 =	rddreg [dreg:$0x0]  }
0x2: {  	s1 =	rddreg [dreg:$0x1]  }
0x3: {  	s0 =	rddreg [dreg:$0x2];
	s2 =	simm.s32 $0x0;
	s25 =	stileid.u32  }
0x4: {  	s3 =	srdreg.scid;
	s19 =	simm.s32 $0x100;
	s20 =	simm.s32 $0x8200  }
0x5: {  	s21 =	simm.s32 $0x80;
	s22 =	simm.s32 $0x4200;
	s23 =	simm.s32 $0x2  }
0x6: {  	s24 =	simm.s32 $0x180;
	[smem:$0x7FF] =	sst s2;
	s9 =	smul.u32 $0x9C00, s25  }
0x7: {  	s10 =	sadd.s32 $0xB600, s5;
	s6 =	sand.u32 $0x1, s3;
	s26 =	smul.u32 $0x27000, s25  }
0x8: {  	s8 =	sadd.s32 $0x1800, s5;
	s11 =	sadd.s32 $0x501000, s5;
	s29 =	smul.u32 $0x9C0, s25  }
0x9: {  	s28 =	sshll.u32 s25, $0x6;
	s16 =	sadd.s32 $0x9C000, s1;
	s13 =	smul.u32 $0x4E000, s25  }
0xa: {  	s15 =	sshll.u32 s25, $0x8;
	p0 =	sne.s32 s25, $0x0;
	p1 =	sgt.u32 s25, $0x1  }
0xb: {  	s25 =	simm.s32 $0xC200;
	_ =	strace $0x80000047;
	s7 =	ssub.s32 $0x2, s6  }
0xc: {  	s15 =	sor.u32 $0x4E000, s15;
	s17 =	smul.u32 $0x9C400, s6;
	s16 =	sshrl.u32 @!p0 s16, $0x3  }
0xd: {  	s4 =	sshrl.u32 s9, $0x3;
	s12 =	sshrl.u32 s7, $0x1;
	s3 =	sshrl.u32 s26, $0x2  }
0xe: {  	s26 =	smul.u32 $0x1388, s6;
	s6 =	sadd.s32 s8, s29;
	s18 =	sshrl.u32 s15, $0x3  }
0xf: {  	s30 =	sshll.u32 s15, $0x4;
	s15 =	simm.s32 $0x3;
	s4 =	sadd.s32 s4, s5  }
0x10: {  	s12 =	ssub.s32 s7, s12;
	s14 =	sadd.s32 s3, s1;
	s5 =	sadd.s32 $0x500E00, s5  }
0x11: {  	s7 =	sadd.s32 s10, s13;
	s8 =	sadd.s32 s8, s18;
	s9 =	sadd.s32 s9, s17  }
.Ltmp0:
0x12: {  	s17 =	sshrl.u32 s17, $0x3;
	s13 =	sadd.s32 $0x20, s6;
	(pc) =	sbr.rel .LBB2_1-.Ltmp0, $4  }
0x13: {  	s18 =	simm.s32 $0x1;
	s3 =	sadd.s32 $0x4ED600, s4;
	s4 =	sor.u32 $0x1C03, s28  }
0x14: {  	s31 =	sshrl.u32 s9, $0x3;
	s9 =	sadd.s32 s10, s30;
	s12 =	smax.u32 s12, $0x1  }
0x15: {  	v1 =	vlaneseq.u32;
	s14 =	sshrl.u32 s14, $0x3;
	s10 =	sadd.s32 s11, s31;
	s11 =	sadd.s32 s11, s17  }
0x16: {  	v1 =	vor.u32 $0x1388, v1;
	v0 =	vmov s26;
	s26 =	simm.s32 $0x0;
	s17 =	simm.s32 $0x200;
	s11 =	sadd.s32 $0x13800, s11  }
.LBB2_5:
0x17: {  	[bflag:$0x0] =	sbarrier.arrive $0xFFFF  }
0x18: {  	[hbm:s10], [sflag:s4] =	dma.local [spmem:s14], $0x1380  }
0x19: {  	s26 =	sadd.s32 $0x1, s26;
	_ =	swait.ge [sflag:s15], $0x1380  }
0x1a: {  	p2 =	sne.s32 s26, s12;
	[sflag:s15] =	ssyncset.done $0x0  }
.Ltmp1:
0x1b: {  	s28 =	simm.s32 @!p0 $0x3;
	[sflag:s15] =	ssyncadd.s32 $0xFFFFEC80;
	(pc) =	sbr.rel @!p2 .LBB2_6-.Ltmp1, $4  }
0x1c: {  	[hbm:s11], [sflag:s4] =	dma.local @!p0 [spmem:s16], $0x80  }
0x1d: {  	_ =	swait.ge @!p0 [sflag:s28], $0x80  }
0x1e: {  	[sflag:s28] =	ssyncset.done @!p0 $0x0  }
0x1f: {  	[sflag:s28] =	ssyncadd.s32 @!p0 $0xFFFFFF80  }
.LBB2_1:
0x20: {  	[spmem:s14], [sflag:s4] =	dma.local [hbm:s3], $0x1380  }
0x21: {  	_ =	swait.ge [sflag:s15], $0x1380  }
0x22: {  	[sflag:s15] =	ssyncset.done $0x0  }
0x23: {  	s28 =	simm.s32 @!p0 $0x3;
	[sflag:s15] =	ssyncadd.s32 $0xFFFFEC80  }
0x24: {  	[spmem:s16], [sflag:s4] =	dma.local @!p0 [hbm:s5], $0x100  }
0x25: {  	_ =	swait.ge @!p0 [sflag:s28], $0x100  }
0x26: {  	[sflag:s28] =	ssyncset.done @!p0 $0x0  }
0x27: {  	[sflag:s28] =	ssyncadd.s32 @!p0 $0xFFFFFF00  }
0x28: {  	[bflag:$0x0] =	sbarrier.arrive $0xFFFF  }
0x29: {  	[tilespmem:s2], [sflag:$0x1] =	stream.linear.gather [hbm4b:s6+s2], $0x100, $0x38;
	[tilespmem:$0x19E80] =	vst v63  }
0x2a: {  	s29 =	simm.s32 $0x0;
	s28 =	smov.u32 s13  }
0x2b: {  	[tilespmem:s17], [sflag:$0x1] =	stream.linear.gather [hbm4b:s7+s2], $0x8000, $0x38;
	[tilespmem:$0x19E80] =	vst v63  }
.LBB2_2:
0x2c: {  	_ =	swait.ge [sflag:s18], $0x100  }
0x2d: {  	[sflag:s18] =	ssyncset.done $0x0  }
0x2e: {  	[sflag:s18] =	ssyncadd.s32 $0xFFFFFF00  }
0x2f: {  	_ =	swait.ge [sflag:s18], $0x8000  }
0x30: {  	[sflag:s18] =	ssyncset.done $0x0  }
0x31: {  	s30 =	sadd.s32 s29, s7;
	[sflag:s18] =	ssyncadd.s32 $0xFFFF8000  }
0x32: {  	[tilespmem:s19], [sflag:$0x2] =	stream.linear.gather [hbm4b:s28+s2], $0x100, $0x38;
	[tilespmem:$0x19E80] =	vst v63  }
0x33: {  	s31 =	sadd.s32 $0x1000, s30  }
0x34: {  	[tilespmem:s20], [sflag:$0x2] =	stream.linear.gather [hbm4b:s31+s2], $0x8000, $0x38;
	[tilespmem:$0x19E80] =	vst v63  }
0x35: {  	v2 =	vld [tilespmem:$0x0]  }
0x36: {  	v3 =	vld [tilespmem:$0x10]  }
0x37: {  	v4 =	vld [tilespmem:$0x20]  }
0x38: {  	v5 =	vld [tilespmem:$0x30]  }
0x39: {  	v6 =	vld [tilespmem:$0x40]  }
0x3a: {  	v7 =	vld [tilespmem:$0x50];
	v2 =	vsub.s32 v2, v0  }
0x3b: {  	v8 =	vld [tilespmem:$0x60];
	v3 =	vsub.s32 v3, v0;
	vm0 =	vlt.u32 v2, $0x1388  }
0x3c: {  	v9 =	vld [tilespmem:$0x70];
	v4 =	vsub.s32 v4, v0;
	vm9 =	vlt.u32 v3, $0x1388;
	v2 =	vsel vm0, v2, v1  }
0x3d: {  	v30 =	vld [tilespmem:$0x80];
	vm10 =	vlt.u32 v4, $0x1388;
	[tilespmem:$0x0] =	vst v2;
	v2 =	vsel vm9, v3, v1;
	v3 =	vsub.s32 v5, v0  }
0x3e: {  	v32 =	vld [tilespmem:$0x90];
	v31 =	vsub.s32 v6, v0;
	[tilespmem:$0x10] =	vst v2;
	v2 =	vsel vm10, v4, v1;
	vm11 =	vlt.u32 v3, $0x1388  }
0x3f: {  	v33 =	vld [tilespmem:$0xA0];
	vm12 =	vlt.u32 v31, $0x1388;
	[tilespmem:$0x20] =	vst v2;
	v2 =	vsel vm11, v3, v1;
	v3 =	vsub.s32 v7, v0  }
0x40: {  	v35 =	vld [tilespmem:$0xB0];
	v34 =	vsub.s32 v8, v0;
	[tilespmem:$0x30] =	vst v2;
	v2 =	vsel vm12, v31, v1;
	vm13 =	vlt.u32 v3, $0x1388  }
0x41: {  	v36 =	vld [tilespmem:$0xC0];
	vm14 =	vlt.u32 v34, $0x1388;
	[tilespmem:$0x40] =	vst v2;
	v2 =	vsel vm13, v3, v1;
	v3 =	vsub.s32 v9, v0  }
0x42: {  	v38 =	vld [tilespmem:$0xD0];
	v37 =	vsub.s32 v30, v0;
	[tilespmem:$0x50] =	vst v2;
	v2 =	vsel vm14, v34, v1;
	vm15 =	vlt.u32 v3, $0x1388  }
0x43: {  	v39 =	vld [tilespmem:$0xE0];
	vm4 =	vlt.u32 v37, $0x1388;
	[tilespmem:$0x60] =	vst v2;
	v2 =	vsel vm15, v3, v1;
	v3 =	vsub.s32 v32, v0  }
0x44: {  	v41 =	vld [tilespmem:$0xF0];
	v40 =	vsub.s32 v33, v0;
	[tilespmem:$0x70] =	vst v2;
	v2 =	vsel vm4, v37, v1;
	vm5 =	vlt.u32 v3, $0x1388  }
0x45: {  	vm6 =	vlt.u32 v40, $0x1388;
	[tilespmem:$0x80] =	vst v2;
	v2 =	vsel vm5, v3, v1;
	v3 =	vsub.s32 v35, v0  }
0x46: {  	v42 =	vsub.s32 v36, v0;
	[tilespmem:$0x90] =	vst v2;
	v2 =	vsel vm6, v40, v1;
	vm7 =	vlt.u32 v3, $0x1388  }
0x47: {  	vm8 =	vlt.u32 v42, $0x1388;
	[tilespmem:$0xA0] =	vst v2;
	v2 =	vsel vm7, v3, v1;
	v3 =	vsub.s32 v38, v0  }
0x48: {  	v43 =	vsub.s32 v39, v0;
	[tilespmem:$0xB0] =	vst v2;
	v2 =	vsel vm8, v42, v1;
	vm9 =	vlt.u32 v3, $0x1388  }
0x49: {  	vm10 =	vlt.u32 v43, $0x1388;
	[tilespmem:$0xC0] =	vst v2;
	v2 =	vsel vm9, v3, v1;
	v3 =	vsub.s32 v41, v0  }
0x4a: {  	[tilespmem:$0xD0] =	vst v2;
	v2 =	vsel vm10, v43, v1;
	vm11 =	vlt.u32 v3, $0x1388  }
0x4b: {  	[tilespmem:$0xE0] =	vst v2;
	v2 =	vsel vm11, v3, v1  }
0x4c: {  	[tilespmem:$0xF0] =	vst v2  }
0x4d: {  	[spmem:s1] =	stream.indirect.scatter.add.f32 [tilespmem:s17], [sflag:$0x3], $0x80, s2, s21, $0xb8;
	[tilespmem:$0x19E80] =	vst v63  }
0x4e: {  	_ =	swait.ge [sflag:s15], $0x4000  }
0x4f: {  	[sflag:s15] =	ssyncset.done $0x0  }
0x50: {  	[sflag:s15] =	ssyncadd.s32 $0xFFFFC000  }
0x51: {  	[spmem:s1] =	stream.indirect.scatter.add.f32 [tilespmem:s22], [sflag:$0x3], $0x80, s21, s21, $0xb8;
	[tilespmem:$0x19E80] =	vst v63  }
0x52: {  	_ =	swait.ge [sflag:s15], $0x4000  }
0x53: {  	[sflag:s15] =	ssyncset.done $0x0  }
0x54: {  	[sflag:s15] =	ssyncadd.s32 $0xFFFFC000  }
0x55: {  	_ =	swait.ge [sflag:s23], $0x100  }
0x56: {  	[sflag:s23] =	ssyncset.done $0x0  }
0x57: {  	[sflag:s23] =	ssyncadd.s32 $0xFFFFFF00  }
0x58: {  	_ =	swait.ge [sflag:s23], $0x8000  }
0x59: {  	[sflag:s23] =	ssyncset.done $0x0  }
0x5a: {  	s31 =	sadd.s32 $0x20, s28;
	[sflag:s23] =	ssyncadd.s32 $0xFFFF8000  }
0x5b: {  	[tilespmem:s2], [sflag:$0x1] =	stream.linear.gather [hbm4b:s31+s2], $0x100, $0x38;
	[tilespmem:$0x19E80] =	vst v63  }
0x5c: {  	s30 =	sadd.s32 $0x2000, s30  }
0x5d: {  	[tilespmem:s17], [sflag:$0x1] =	stream.linear.gather [hbm4b:s30+s2], $0x8000, $0x38;
	[tilespmem:$0x19E80] =	vst v63  }
0x5e: {  	v2 =	vld [tilespmem:$0x100]  }
0x5f: {  	v3 =	vld [tilespmem:$0x110]  }
0x60: {  	v44 =	vld [tilespmem:$0x120]  }
0x61: {  	v45 =	vld [tilespmem:$0x130]  }
0x62: {  	v46 =	vld [tilespmem:$0x140]  }
0x63: {  	v47 =	vld [tilespmem:$0x150];
	v2 =	vsub.s32 v2, v0  }
0x64: {  	v48 =	vld [tilespmem:$0x160];
	v3 =	vsub.s32 v3, v0;
	vm12 =	vlt.u32 v2, $0x1388  }
0x65: {  	v49 =	vld [tilespmem:$0x170];
	v4 =	vsub.s32 v44, v0;
	vm13 =	vlt.u32 v3, $0x1388;
	v2 =	vsel vm12, v2, v1  }
0x66: {  	v50 =	vld [tilespmem:$0x180];
	vm14 =	vlt.u32 v4, $0x1388;
	[tilespmem:$0x100] =	vst v2;
	v2 =	vsel vm13, v3, v1;
	v3 =	vsub.s32 v45, v0  }
0x67: {  	v52 =	vld [tilespmem:$0x190];
	v51 =	vsub.s32 v46, v0;
	[tilespmem:$0x110] =	vst v2;
	v2 =	vsel vm14, v4, v1;
	vm15 =	vlt.u32 v3, $0x1388  }
0x68: {  	v53 =	vld [tilespmem:$0x1A0];
	vm4 =	vlt.u32 v51, $0x1388;
	[tilespmem:$0x120] =	vst v2;
	v2 =	vsel vm15, v3, v1;
	v3 =	vsub.s32 v47, v0  }
0x69: {  	v55 =	vld [tilespmem:$0x1B0];
	v54 =	vsub.s32 v48, v0;
	[tilespmem:$0x130] =	vst v2;
	v2 =	vsel vm4, v51, v1;
	vm5 =	vlt.u32 v3, $0x1388  }
0x6a: {  	v56 =	vld [tilespmem:$0x1C0];
	vm6 =	vlt.u32 v54, $0x1388;
	[tilespmem:$0x140] =	vst v2;
	v2 =	vsel vm5, v3, v1;
	v3 =	vsub.s32 v49, v0  }
0x6b: {  	v58 =	vld [tilespmem:$0x1D0];
	v57 =	vsub.s32 v50, v0;
	[tilespmem:$0x150] =	vst v2;
	v2 =	vsel vm6, v54, v1;
	vm7 =	vlt.u32 v3, $0x1388  }
0x6c: {  	v59 =	vld [tilespmem:$0x1E0];
	vm8 =	vlt.u32 v57, $0x1388;
	[tilespmem:$0x160] =	vst v2;
	v2 =	vsel vm7, v3, v1;
	v3 =	vsub.s32 v52, v0  }
0x6d: {  	v61 =	vld [tilespmem:$0x1F0];
	v60 =	vsub.s32 v53, v0;
	[tilespmem:$0x170] =	vst v2;
	v2 =	vsel vm8, v57, v1;
	vm9 =	vlt.u32 v3, $0x1388  }
0x6e: {  	vm10 =	vlt.u32 v60, $0x1388;
	[tilespmem:$0x180] =	vst v2;
	v2 =	vsel vm9, v3, v1;
	v3 =	vsub.s32 v55, v0  }
0x6f: {  	v62 =	vsub.s32 v56, v0;
	[tilespmem:$0x190] =	vst v2;
	v2 =	vsel vm10, v60, v1;
	vm11 =	vlt.u32 v3, $0x1388  }
0x70: {  	vm12 =	vlt.u32 v62, $0x1388;
	[tilespmem:$0x1A0] =	vst v2;
	v2 =	vsel vm11, v3, v1;
	v3 =	vsub.s32 v58, v0  }
0x71: {  	v63 =	vsub.s32 v59, v0;
	[tilespmem:$0x1B0] =	vst v2;
	v2 =	vsel vm12, v62, v1;
	vm13 =	vlt.u32 v3, $0x1388  }
0x72: {  	vm14 =	vlt.u32 v63, $0x1388;
	[tilespmem:$0x1C0] =	vst v2;
	v2 =	vsel vm13, v3, v1;
	v3 =	vsub.s32 v61, v0  }
0x73: {  	[tilespmem:$0x1D0] =	vst v2;
	v2 =	vsel vm14, v63, v1;
	vm15 =	vlt.u32 v3, $0x1388  }
0x74: {  	[tilespmem:$0x1E0] =	vst v2;
	v2 =	vsel vm15, v3, v1  }
0x75: {  	[tilespmem:$0x1F0] =	vst v2  }
0x76: {  	[spmem:s1] =	stream.indirect.scatter.add.f32 [tilespmem:s20], [sflag:$0x3], $0x80, s19, s21, $0xb8;
	[tilespmem:$0x19E80] =	vst v63  }
0x77: {  	_ =	swait.ge [sflag:s15], $0x4000  }
0x78: {  	p2 =	sne.s32 s29, $0x4C000;
	[sflag:s15] =	ssyncset.done $0x0  }
.Ltmp2:
0x79: {  	[sflag:s15] =	ssyncadd.s32 $0xFFFFC000;
	(pc) =	sbr.rel @p2 .LBB2_2-.Ltmp2, $4  }
0x7a: {  	[spmem:s1] =	stream.indirect.scatter.add.f32 [tilespmem:s25], [sflag:$0x3], $0x80, s24, s21, $0xb8;
	[tilespmem:$0x19E80] =	vst v63  }
0x7b: {  	_ =	swait.ge [sflag:s15], $0x4000  }
0x7c: {  	[sflag:s15] =	ssyncset.done $0x0  }
0x7d: {  	s29 =	sadd.s32 $0x2000, s29;
	s28 =	sadd.s32 $0x40, s28;
	[sflag:s15] =	ssyncadd.s32 $0xFFFFC000  }
0x7e: {  	_ =	swait.ge [sflag:s18], $0x100  }
.Ltmp3:
0x7f: {  	[sflag:s18] =	ssyncset.done $0x0;
	(pc) =	sbr.rel @p1 .LBB2_5-.Ltmp3, $4  }
0x80: {  	[sflag:s18] =	ssyncadd.s32 $0xFFFFFF00  }
0x81: {  	_ =	swait.ge [sflag:s18], $0x8000  }
0x82: {  	[sflag:s18] =	ssyncset.done $0x0  }
0x83: {  	[sflag:s18] =	ssyncadd.s32 $0xFFFF8000  }
0x84: {  	[tilespmem:s2], [sflag:$0x3] =	stream.linear.gather [hbm4b:s8+s2], $0x100, $0x38;
	[tilespmem:$0x19E80] =	vst v63  }
0x85: {  	_ =	swait.ge [sflag:s15], $0x100  }
0x86: {  	[sflag:s15] =	ssyncset.done $0x0  }
0x87: {  	[sflag:s15] =	ssyncadd.s32 $0xFFFFFF00  }
0x88: {  	[tilespmem:s17], [sflag:$0x3] =	stream.linear.gather [hbm4b:s9+s2], $0x8000, $0x38;
	[tilespmem:$0x19E80] =	vst v63  }
0x89: {  	_ =	swait.ge [sflag:s15], $0x8000  }
0x8a: {  	[sflag:s15] =	ssyncset.done $0x0  }
0x8b: {  	[sflag:s15] =	ssyncadd.s32 $0xFFFF8000  }
0x8c: {  	v2 =	vld [tilespmem:$0x0]  }
0x8d: {  	v3 =	vld [tilespmem:$0x10]  }
0x8e: {  	v4 =	vld [tilespmem:$0x20]  }
0x8f: {  	v5 =	vld [tilespmem:$0x30]  }
0x90: {  	v6 =	vld [tilespmem:$0x40]  }
0x91: {  	v7 =	vld [tilespmem:$0x50];
	v2 =	vsub.s32 v2, v0  }
0x92: {  	v8 =	vld [tilespmem:$0x60];
	v3 =	vsub.s32 v3, v0;
	vm0 =	vlt.u32 v2, $0x1388  }
0x93: {  	v9 =	vld [tilespmem:$0x70];
	v4 =	vsub.s32 v4, v0;
	vm13 =	vlt.u32 v3, $0x1388;
	v2 =	vsel vm0, v2, v1  }
0x94: {  	v50 =	vld [tilespmem:$0x80];
	vm14 =	vlt.u32 v4, $0x1388;
	[tilespmem:$0x0] =	vst v2;
	v2 =	vsel vm13, v3, v1;
	v3 =	vsub.s32 v5, v0  }
0x95: {  	v52 =	vld [tilespmem:$0x90];
	v51 =	vsub.s32 v6, v0;
	[tilespmem:$0x10] =	vst v2;
	v2 =	vsel vm14, v4, v1;
	vm15 =	vlt.u32 v3, $0x1388  }
0x96: {  	v53 =	vld [tilespmem:$0xA0];
	vm4 =	vlt.u32 v51, $0x1388;
	[tilespmem:$0x20] =	vst v2;
	v2 =	vsel vm15, v3, v1;
	v3 =	vsub.s32 v7, v0  }
0x97: {  	v55 =	vld [tilespmem:$0xB0];
	v54 =	vsub.s32 v8, v0;
	[tilespmem:$0x30] =	vst v2;
	v2 =	vsel vm4, v51, v1;
	vm5 =	vlt.u32 v3, $0x1388  }
0x98: {  	v56 =	vld [tilespmem:$0xC0];
	vm6 =	vlt.u32 v54, $0x1388;
	[tilespmem:$0x40] =	vst v2;
	v2 =	vsel vm5, v3, v1;
	v3 =	vsub.s32 v9, v0  }
0x99: {  	v58 =	vld [tilespmem:$0xD0];
	v57 =	vsub.s32 v50, v0;
	[tilespmem:$0x50] =	vst v2;
	v2 =	vsel vm6, v54, v1;
	vm7 =	vlt.u32 v3, $0x1388  }
0x9a: {  	v59 =	vld [tilespmem:$0xE0];
	vm8 =	vlt.u32 v57, $0x1388;
	[tilespmem:$0x60] =	vst v2;
	v2 =	vsel vm7, v3, v1;
	v3 =	vsub.s32 v52, v0  }
0x9b: {  	v61 =	vld [tilespmem:$0xF0];
	v60 =	vsub.s32 v53, v0;
	[tilespmem:$0x70] =	vst v2;
	v2 =	vsel vm8, v57, v1;
	vm9 =	vlt.u32 v3, $0x1388  }
0x9c: {  	vm10 =	vlt.u32 v60, $0x1388;
	[tilespmem:$0x80] =	vst v2;
	v2 =	vsel vm9, v3, v1;
	v3 =	vsub.s32 v55, v0  }
0x9d: {  	v62 =	vsub.s32 v56, v0;
	[tilespmem:$0x90] =	vst v2;
	v2 =	vsel vm10, v60, v1;
	vm11 =	vlt.u32 v3, $0x1388  }
0x9e: {  	vm12 =	vlt.u32 v62, $0x1388;
	[tilespmem:$0xA0] =	vst v2;
	v2 =	vsel vm11, v3, v1;
	v3 =	vsub.s32 v58, v0  }
0x9f: {  	v63 =	vsub.s32 v59, v0;
	[tilespmem:$0xB0] =	vst v2;
	v2 =	vsel vm12, v62, v1;
	vm13 =	vlt.u32 v3, $0x1388  }
0xa0: {  	vm14 =	vlt.u32 v63, $0x1388;
	[tilespmem:$0xC0] =	vst v2;
	v2 =	vsel vm13, v3, v1;
	v3 =	vsub.s32 v61, v0  }
0xa1: {  	[tilespmem:$0xD0] =	vst v2;
	v2 =	vsel vm14, v63, v1;
	vm15 =	vlt.u32 v3, $0x1388  }
0xa2: {  	[tilespmem:$0xE0] =	vst v2;
	v2 =	vsel vm15, v3, v1  }
0xa3: {  	[tilespmem:$0xF0] =	vst v2  }
0xa4: {  	[spmem:s1] =	stream.indirect.scatter.add.f32 [tilespmem:s17], [sflag:$0x3], $0x80, s2, s21, $0xb8;
	[tilespmem:$0x19E80] =	vst v63  }
0xa5: {  	_ =	swait.ge [sflag:s15], $0x4000  }
0xa6: {  	[sflag:s15] =	ssyncset.done $0x0  }
.Ltmp4:
0xa7: {  	[sflag:s15] =	ssyncadd.s32 $0xFFFFC000;
	(pc) =	sbr.rel .LBB2_5-.Ltmp4, $4  }
0xa8: {  	[spmem:s1] =	stream.indirect.scatter.add.f32 [tilespmem:s22], [sflag:$0x3], $0x80, s21, s21, $0xb8;
	[tilespmem:$0x19E80] =	vst v63  }
0xa9: {  	_ =	swait.ge [sflag:s15], $0x4000  }
0xaa: {  	[sflag:s15] =	ssyncset.done $0x0  }
0xab: {  	[sflag:s15] =	ssyncadd.s32 $0xFFFFC000  }
.LBB2_6:
0xac: {  	_ =	sfence.sel $0x180000  }
0xad: {  	[bflag:$0x0] =	sbarrier.arrive $0xFFFF  }
0xae: {  	_ =	strace $0x90000047  }
0xaf: {  	s0 =	sadd.s32 @!p0 $0x100000, s0;
	[bflag:$0x2] =	sbarrier.arrive $0xFFFF  }
0xb0: {  	[sflag:s0] =	ssyncadd.tile.s32 @!p0 $0x1;
	_ =	shalt  }
.Lfunc_end2:
_tile_overlayer_lowered:
.L_overlay_start_2:
0xb1: {  	(tag) =	ssettag $0x2  }
0xb2: {  	s0 =	rddreg [dreg:$0x0];
	s2 =	stileid.u32  }
0xb3: {  	s1 =	rddreg [dreg:$0x1];
	p0 =	sne.s32 s2, $0x0  }
0xb4: {  	s3 =	rddreg [dreg:$0x2];
	[bflag:$0x3] =	sbarrier.arrive $0xFFFF;
	s2 =	simm.s32 @!p0 $0x1C03  }
0xb5: {  	[timem:s3], [sflag:s2] =	dma.local @!p0 [hbm:s0], s1  }
0xb6: {  	s0 =	simm.s32 @!p0 $0x3  }
0xb7: {  	_ =	swait.ge @!p0 [sflag:s0], s1  }
0xb8: {  	s1 =	ssub.s32 @!p0 $0x0, s1;
	[sflag:s0] =	ssyncset.done @!p0 $0x0  }
0xb9: {  	[sflag:s0] =	ssyncadd.s32 @!p0 s1  }
0xba: {  	[bflag:$0x3] =	sbarrier.arrive $0xFFFF  }
0xbb: {  	_ =	shalt  }

</sc_bundles>
